<compile_context>
chip_gen: v7x
topology: tpu7x:2x2x1
jax: 0.10.2.dev20260603
libtpu: 0.0.44.dev20260713+nightly
codegen_flags: <defaults>
</compile_context>

<pallas_src>
import functools

import jax
import jax.numpy as jnp
from jax import lax
from jax.experimental import pallas as pl
from jax.experimental.pallas import tpu as pltpu
from jax.experimental.pallas import tpu_sc as plsc

N = 10000
C = 128
G = 8
RATIO = 0.8
E = 320000

LANE = 128
ROWS = 80
NPAD = ROWS * LANE
NSL = NPAD // 16

NW = 32
EPW = E // NW
XBLK = 78


@functools.cache
def _mesh():
    return plsc.VectorSubcoreMesh(
        core_axis_name="c", subcore_axis_name="s", num_cores=2,
        num_subcores=16)


def _sc_deg_body(e_hbm, ones_hbm, zeros_hbm, out_hbm, colv, ones_v, acc_sh):
    cid = lax.axis_index("c")
    sid = lax.axis_index("s")
    wid = cid * 16 + sid

    @pl.when(sid == 0)
    def _():
        pltpu.sync_copy(zeros_hbm, acc_sh)

    pltpu.sync_copy(e_hbm.at[1].at[wid], colv)
    pltpu.sync_copy(ones_hbm, ones_v)
    plsc.subcore_barrier()
    pltpu.sync_copy(ones_v, acc_sh.at[colv], add=True)
    plsc.subcore_barrier()

    @pl.when(sid == 0)
    def _():
        pltpu.sync_copy(acc_sh, out_hbm.at[cid])


@functools.cache
def _sc_deg_call():
    return pl.kernel(
        _sc_deg_body,
        out_type=jax.ShapeDtypeStruct((2, NPAD), jnp.float32),
        mesh=_mesh(),
        scratch_types=[
            pltpu.VMEM((EPW,), jnp.int32),
            pltpu.VMEM((EPW,), jnp.float32),
            pltpu.VMEM_SHARED((NPAD,), jnp.float32),
        ],
    )


def _sc_deg(e3, ones_e, zeros_n):
    return _sc_deg_call()(e3, ones_e, zeros_n)


def _sc_agg_body(e_hbm, h_hbm, degp_hbm, zeros_hbm,
                 agg_out, u_out, dinv_out,
                 rowv, colv, vals, d0v, d1v, hv, uv, dinvv, aggv, sv,
                 u_sh, acc_sh):
    cid = lax.axis_index("c")
    sid = lax.axis_index("s")
    wid = cid * 16 + sid
    off = sid * NSL
    sl = pl.ds(off, NSL)

    pltpu.sync_copy(zeros_hbm.at[sl], acc_sh.at[sl])
    pltpu.sync_copy(e_hbm.at[0].at[wid], rowv)
    pltpu.sync_copy(e_hbm.at[1].at[wid], colv)
    pltpu.sync_copy(degp_hbm.at[0].at[sl], d0v)
    pltpu.sync_copy(degp_hbm.at[1].at[sl], d1v)
    pltpu.sync_copy(h_hbm.at[sl], hv)

    def nbody(i, carry):
        ix = pl.ds(i * 16, 16)
        d = d0v[ix] + d1v[ix] + 1.0
        bits = lax.bitcast_convert_type(d, jnp.int32)
        y = lax.bitcast_convert_type(
            jnp.int32(0x5F3759DF) - lax.shift_right_logical(bits, 1),
            jnp.float32)
        y = y * (1.5 - 0.5 * d * y * y)
        y = y * (1.5 - 0.5 * d * y * y)
        y = y * (1.5 - 0.5 * d * y * y)
        uv[ix] = hv[ix] * y
        dinvv[ix] = y
        return carry

    lax.fori_loop(0, NSL // 16, nbody, 0)
    pltpu.sync_copy(uv, u_sh.at[sl])

    @pl.when(cid == 0)
    def _():
        pltpu.sync_copy(uv, u_out.at[sl])
        pltpu.sync_copy(dinvv, dinv_out.at[sl])

    plsc.subcore_barrier()
    pltpu.sync_copy(u_sh.at[rowv], vals)
    pltpu.sync_copy(vals, acc_sh.at[colv], add=True)
    plsc.subcore_barrier()

    @pl.when(sid == 0)
    def _():
        pltpu.sync_copy(acc_sh, agg_out.at[cid])


@functools.cache
def _sc_agg_call():
    return pl.kernel(
        _sc_agg_body,
        out_type=(
            jax.ShapeDtypeStruct((2, NPAD), jnp.float32),
            jax.ShapeDtypeStruct((NPAD,), jnp.float32),
            jax.ShapeDtypeStruct((NPAD,), jnp.float32),
        ),
        mesh=_mesh(),
        scratch_types=[
            pltpu.VMEM((EPW,), jnp.int32),
            pltpu.VMEM((EPW,), jnp.int32),
            pltpu.VMEM((EPW,), jnp.float32),
            pltpu.VMEM((NSL,), jnp.float32),
            pltpu.VMEM((NSL,), jnp.float32),
            pltpu.VMEM((NSL,), jnp.float32),
            pltpu.VMEM((NSL,), jnp.float32),
            pltpu.VMEM((NSL,), jnp.float32),
            pltpu.VMEM((NSL,), jnp.float32),
            pltpu.VMEM((NSL,), jnp.float32),
            pltpu.VMEM_SHARED((NPAD,), jnp.float32),
            pltpu.VMEM_SHARED((NPAD,), jnp.float32),
        ],
    )


def _sc_agg(e3, h, degp, zeros_n):
    return _sc_agg_call()(e3, h, degp, zeros_n)


def _mv_body(x_ref, w_ref, h_ref):
    h = jnp.dot(x_ref[...], w_ref[...], preferred_element_type=jnp.float32)
    h = jnp.concatenate([h, jnp.zeros((NPAD - N, 1), jnp.float32)], axis=0)
    h_ref[...] = h.reshape(ROWS, LANE)


_tc_mv = pl.pallas_call(
    _mv_body,
    out_shape=jax.ShapeDtypeStruct((ROWS, LANE), jnp.float32),
)


SB = 4
RB = SB * LANE
NSTEP = ROWS // SB


def _selpool_body(aggp_ref, u_ref, dinv_ref, batch_ref, b_ref, x_ref,
                  score_ref, pooled_ref, wsel_s, selm_s, vmax, vsum, vcnt):
    j = pl.program_id(0)
    neg = jnp.float32(-jnp.inf)
    ii = lax.broadcasted_iota(jnp.int32, (LANE, LANE), 0)
    jj = lax.broadcasted_iota(jnp.int32, (LANE, LANE), 1)
    eye = jnp.where(ii == jj, 1.0, 0.0)
    ones_col = jnp.ones((LANE, 1), jnp.float32)

    @pl.when(j == 0)
    def _():
        u = u_ref[...]
        dinv = dinv_ref[...]
        agg = aggp_ref[0] + aggp_ref[1]
        score = dinv * (agg + u) + b_ref[0, 0]
        score_ref[...] = score
        batch = batch_ref[...]

        MINI = jnp.int32(-2147483648)
        bits = lax.bitcast_convert_type(score, jnp.int32)
        ubits = jnp.where(bits >= 0, bits ^ MINI, ~bits)
        s_signed = ubits ^ MINI
        w = jnp.tanh(score)

        ings = [batch == g for g in range(G)]
        ing_any = batch < G

        def msum(cond):
            return jnp.sum(jnp.where(cond, 1.0, 0.0))

        def pack8(vals):
            return jnp.concatenate(
                [v.reshape(1, 1) for v in vals], axis=1)

        def sel8(row8, cast=None):
            out = None
            for g in range(G):
                v = row8[0, g]
                term = jnp.where(ings[g], v, jnp.zeros_like(v))
                out = term if out is None else out + term
            return out

        n8 = pack8([msum(ings[g]) for g in range(G)])
        k8 = jnp.ceil(jnp.float32(RATIO) * n8)

        def step(i, carry):
            P8, a8 = carry
            bpos = 31 - i
            P_node = sel8(P8)
            eq = (lax.shift_right_logical(ubits, bpos)
                  == (lax.shift_right_logical(P_node, bpos) | 1))
            c18 = pack8([msum(eq & ings[g]) for g in range(G)])
            take = (a8 + c18) >= k8
            P2 = jnp.where(take, P8 | lax.shift_left(jnp.int32(1), bpos), P8)
            a2 = jnp.where(take, a8, a8 + c18)
            return (P2, a2)

        P8, a8 = lax.fori_loop(
            0, 32, step,
            (jnp.zeros((1, G), jnp.int32), jnp.zeros((1, G), jnp.float32)))
        m8 = k8 - a8
        T_node = sel8(P8)
        m_node = sel8(m8)
        strict = (s_signed > (T_node ^ MINI)) & ing_any
        ties = (ubits == T_node) & ing_any
        t = jnp.where(ties, 1.0, 0.0)
        upper_incl = (ii <= jj).astype(jnp.float32)
        ri = lax.broadcasted_iota(jnp.int32, (ROWS, ROWS), 0)
        rj = lax.broadcasted_iota(jnp.int32, (ROWS, ROWS), 1)
        lower_strict = (rj < ri).astype(jnp.float32)
        incl = jnp.dot(t, upper_incl, preferred_element_type=jnp.float32)
        srow = incl[:, LANE - 1:LANE]
        rowpre = jnp.dot(lower_strict, srow,
                         preferred_element_type=jnp.float32)
        excl = rowpre + incl - t
        pre8 = pack8([msum(ties & (batch < g)) for g in range(G)])
        rank = excl - sel8(pre8)
        sel = strict | (ties & (rank < m_node))
        wsel_s[...] = jnp.where(sel, w, 0.0)
        selm_s[...] = jnp.where(sel, 1.0, 0.0)
        vmax[...] = jnp.full((G, LANE), neg, jnp.float32)
        vsum[...] = jnp.zeros((G, LANE), jnp.float32)
        vcnt[...] = jnp.zeros((G, LANE), jnp.float32)

    def tocol(row):
        m = jnp.where(eye > 0.5, jnp.broadcast_to(row, (LANE, LANE)), 0.0)
        return jnp.dot(m, ones_col, preferred_element_type=jnp.float32)

    def tocols(rows):
        return jnp.concatenate(
            [tocol(rows[r:r + 1, :]) for r in range(SB)], axis=0)

    brows = batch_ref[pl.ds(j * SB, SB), :]
    w_col = tocols(wsel_s[pl.ds(j * SB, SB), :])
    s_col = tocols(selm_s[pl.ds(j * SB, SB), :])
    b_col = tocols(brows.astype(jnp.float32))
    val = x_ref[...] * w_col
    gmin = jnp.min(brows)
    gmax_b = jnp.minimum(jnp.max(brows), G - 1)

    def gbody(g, carry):
        gf = g.astype(jnp.float32)
        m = (s_col > 0.5) & (jnp.abs(b_col - gf) < 0.5)
        bmax = jnp.max(jnp.where(m, val, neg), axis=0, keepdims=True)
        bsum = jnp.sum(jnp.where(m, val, 0.0), axis=0, keepdims=True)
        bcnt = jnp.sum(jnp.where(m, 1.0, 0.0))
        gs = pl.ds(g, 1)
        vmax[gs, :] = jnp.maximum(vmax[gs, :], bmax)
        vsum[gs, :] = vsum[gs, :] + bsum
        vcnt[gs, :] = vcnt[gs, :] + bcnt
        return carry

    lax.fori_loop(gmin, gmax_b + 1, gbody, 0)

    @pl.when(j == NSTEP - 1)
    def _():
        pooled_ref[:, 0:LANE] = vmax[...]
        pooled_ref[:, LANE:2 * LANE] = (vsum[...]
                                        / jnp.maximum(vcnt[...], 1.0))


_tc_selpool = pl.pallas_call(
    _selpool_body,
    grid=(NSTEP,),
    in_specs=[
        pl.BlockSpec((2, ROWS, LANE), lambda j: (0, 0, 0)),
        pl.BlockSpec((ROWS, LANE), lambda j: (0, 0)),
        pl.BlockSpec((ROWS, LANE), lambda j: (0, 0)),
        pl.BlockSpec((ROWS, LANE), lambda j: (0, 0)),
        pl.BlockSpec((1, 1), lambda j: (0, 0)),
        pl.BlockSpec((RB, C), lambda j: (j, 0)),
    ],
    out_specs=(
        pl.BlockSpec((ROWS, LANE), lambda j: (0, 0)),
        pl.BlockSpec((G, 2 * C), lambda j: (0, 0)),
    ),
    out_shape=(
        jax.ShapeDtypeStruct((ROWS, LANE), jnp.float32),
        jax.ShapeDtypeStruct((G, 2 * C), jnp.float32),
    ),
    scratch_shapes=[
        pltpu.VMEM((ROWS, LANE), jnp.float32),
        pltpu.VMEM((ROWS, LANE), jnp.float32),
        pltpu.VMEM((G, LANE), jnp.float32),
        pltpu.VMEM((G, LANE), jnp.float32),
        pltpu.VMEM((G, LANE), jnp.float32),
    ],
)


def kernel(x, edge_index, batch, W, b):
    e3 = edge_index.reshape(2, NW, EPW)
    batch_pad = jnp.pad(batch, (0, NPAD - N), constant_values=G)
    zeros_n = jnp.zeros((NPAD,), jnp.float32)
    ones_e = jnp.ones((EPW,), jnp.float32)

    h = _tc_mv(x, W)
    degp = _sc_deg(e3, ones_e, zeros_n)
    aggp, u, dinv = _sc_agg(e3, h.reshape(NPAD), degp, zeros_n)
    score80, pooled = _tc_selpool(
        aggp.reshape(2, ROWS, LANE), u.reshape(ROWS, LANE),
        dinv.reshape(ROWS, LANE), batch_pad.reshape(ROWS, LANE),
        b.reshape(1, 1), x)
    score = score80.reshape(NPAD)[:N]
    return (pooled, score)

# --- scband reference (transcript-rebuilt; emitter-appended) ---
"""Pipeline reference for scband-sagpool-29351806501361 (READ-ONLY COPY).

The authoritative reference and input builder live on the scoring server;
editing this copy changes nothing except your own understanding.
"""

import jax, jax.numpy as jnp
import numpy as np

IN_CHANNELS = 128
RATIO = 0.8
N_NODES = 10000
N_EDGES = 320000
N_GRAPHS = 8


def setup_inputs(seed: int = 0):
    key = jax.random.key(seed)
    k1, k2, k3, k4 = jax.random.split(key, 4)
    x = jax.random.normal(k1, (N_NODES, IN_CHANNELS), dtype=jnp.float32)
    edge_index = jax.random.randint(k2, (2, N_EDGES), 0, N_NODES, dtype=jnp.int32)
    batch = jnp.sort(jax.random.randint(k3, (N_NODES,), 0, N_GRAPHS, dtype=jnp.int32))
    W = jax.random.normal(k4, (IN_CHANNELS, 1), dtype=jnp.float32) * (1.0 / np.sqrt(IN_CHANNELS))
    b = jnp.zeros((1,), dtype=jnp.float32)
    return {"x": x, "edge_index": edge_index, "batch": batch, "W": W, "b": b}


def gcn_score(x, W, b, edge_index):
    # GCNConv(in_channels, 1) with symmetric normalization and self-loops
    N = x.shape[0]
    row, col = edge_index[0], edge_index[1]
    loop = jnp.arange(N, dtype=row.dtype)
    row_f = jnp.concatenate([row, loop])
    col_f = jnp.concatenate([col, loop])
    deg = jnp.zeros((N,), x.dtype).at[col_f].add(1.0)
    dinv = jnp.where(deg > 0, 1.0 / jnp.sqrt(deg), 0.0)
    norm = dinv[row_f] * dinv[col_f]
    h = x @ W  # [N, 1]
    msg = h[row_f] * norm[:, None]
    agg = jnp.zeros((N, 1), x.dtype).at[col_f].add(msg)
    return (agg + b)[:, 0]  # squeeze -> [N]


def topk_perm(score, ratio, batch, num_graphs):
    # faithful port of torch_geometric topk (ratio < 1 branch)
    N = score.shape[0]
    num_nodes = jnp.zeros((num_graphs,), jnp.int32).at[batch].add(1)
    k = jnp.ceil(ratio * num_nodes.astype(score.dtype)).astype(jnp.int32)
    x_perm = jnp.argsort(-score)  # descending sort of scores
    batch_sorted = batch[x_perm]
    batch_perm = jnp.argsort(batch_sorted)  # jnp.argsort is stable
    batch_sorted2 = batch_sorted[batch_perm]
    ptr = jnp.concatenate([jnp.zeros((1,), jnp.int32), jnp.cumsum(num_nodes)])
    batched_arange = jnp.arange(N, dtype=jnp.int32) - ptr[batch_sorted2]
    mask = batched_arange < k[batch_sorted2]
    return x_perm[batch_perm], mask


def reference(x, edge_index, batch, W, b):
    num_graphs = N_GRAPHS
    score = gcn_score(x, W, b, edge_index)
    perm, mask = topk_perm(score, RATIO, batch, num_graphs)
    sel_score = score[perm]
    sel_x = x[perm] * jnp.tanh(sel_score)[:, None]
    sel_batch = batch[perm]
    # (filter_adj output is discarded by the original forward; outputs do not depend on it)
    gmp = jax.ops.segment_max(jnp.where(mask[:, None], sel_x, -jnp.inf), sel_batch, num_segments=num_graphs)
    counts = jax.ops.segment_sum(mask.astype(x.dtype), sel_batch, num_segments=num_graphs)
    gap = jax.ops.segment_sum(jnp.where(mask[:, None], sel_x, 0.0), sel_batch, num_segments=num_graphs) / jnp.clip(counts, 1.0)[:, None]
    pooled = jnp.concatenate([gmp, gap], axis=1)  # [num_graphs, 2*IN_CHANNELS]
    return (pooled, score)

if __name__ == "__main__":
    import jax
    _d = setup_inputs()
    print(jax.jit(kernel)(*tuple(_d.values())))

</pallas_src>

<mosaic_0001>
#map = affine_map<(d0, d1) -> (0, 0, 0)>
#map1 = affine_map<(d0, d1) -> (0)>
#map2 = affine_map<(d0, d1) -> (0, 0)>
module attributes {stable_mosaic.version = 14 : i64} {
  func.func @_sc_deg_body(%arg0: i32, %arg1: i32, %arg2: memref<2x32x10000xi32, #tpu.memory_space<hbm>>, %arg3: memref<10000xf32, #tpu.memory_space<hbm>>, %arg4: memref<10240xf32, #tpu.memory_space<hbm>>, %arg5: memref<2x10240xf32, #tpu.memory_space<hbm>>, %arg6: memref<10000xi32, #tpu.memory_space<vmem>>, %arg7: memref<10000xf32, #tpu.memory_space<vmem>>, %arg8: memref<10240xf32, #tpu.memory_space<vmem_shared>>) attributes {dimension_semantics = [#tpu.dimension_semantics<core_parallel>, #tpu.dimension_semantics<subcore_parallel>], iteration_bounds = array<i64: 2, 16>, scalar_prefetch = 0 : i64, scratch_operands = 3 : i64, tpu.core_type = #tpu.core_type<sc_vector_subcore>, window_params = [{transform_indices = #map}, {transform_indices = #map1}, {transform_indices = #map1}, {transform_indices = #map2}]} {
    %mul3A = arith.constant 16 : i32
    %mul3A_0 = arith.muli %arg0, %mul3A : i32
    %add3A = arith.addi %mul3A_0, %arg1 : i32
    %eq3A = arith.constant 0 : i32
    %eq3A_1 = arith.cmpi eq, %arg1, %eq3A : i32
    %convert_element_type3A = arith.extui %eq3A_1 : i1 to i32
    %cond3A = arith.constant 0 : i32
    %cond3A_2 = arith.cmpi ne, %convert_element_type3A, %cond3A : i32
    scf.if %cond3A_2 {
      "tpu.region"() ({
        %run_scoped3A_9 = tpu.sem_alloc : memref<!tpu.dma_semaphore, #tpu.memory_space<semaphore_mem>>
        tpu.enqueue_dma source(%arg4 : memref<10240xf32, #tpu.memory_space<hbm>>) target(%arg8 : memref<10240xf32, #tpu.memory_space<vmem_shared>>) target_semaphore(%run_scoped3A_9 : memref<!tpu.dma_semaphore, #tpu.memory_space<semaphore_mem>>)
        tpu.wait_dma2 semaphore(%run_scoped3A_9 : memref<!tpu.dma_semaphore, #tpu.memory_space<semaphore_mem>>) src(%arg4 : memref<10240xf32, #tpu.memory_space<hbm>>) dst(%arg8 : memref<10240xf32, #tpu.memory_space<vmem_shared>>)
        tpu.yield
      }) : () -> ()
    } else {
    }
    %run_scoped3A = arith.constant 1 : i32
    "tpu.region"() ({
      %run_scoped3A_9 = tpu.sem_alloc : memref<!tpu.dma_semaphore, #tpu.memory_space<semaphore_mem>>
      %dma_start3A = arith.constant 0 : i32
      %dma_start3A_10 = arith.constant 0 : i32
      %dma_start3A_11 = tpu.memref_slice %arg2[%run_scoped3A, %dma_start3A, %dma_start3A_10] : memref<2x32x10000xi32, #tpu.memory_space<hbm>> -> memref<1x32x10000xi32, #tpu.memory_space<hbm>>
      %dma_start3A_12 = tpu.memref_squeeze %dma_start3A_11 : memref<1x32x10000xi32, #tpu.memory_space<hbm>> -> memref<32x10000xi32, #tpu.memory_space<hbm>>
      %dma_start3A_13 = arith.constant 0 : i32
      %dma_start3A_14 = tpu.memref_slice %dma_start3A_12[%add3A, %dma_start3A_13] : memref<32x10000xi32, #tpu.memory_space<hbm>> -> memref<1x10000xi32, #tpu.memory_space<hbm>>
      %dma_start3A_15 = tpu.memref_squeeze %dma_start3A_14 : memref<1x10000xi32, #tpu.memory_space<hbm>> -> memref<10000xi32, #tpu.memory_space<hbm>>
      %dma_start3A_16 = arith.constant 0 : i32
      %dma_start3A_17 = arith.constant 0 : i32
      %dma_start3A_18 = tpu.memref_slice %arg2[%run_scoped3A, %dma_start3A_16, %dma_start3A_17] : memref<2x32x10000xi32, #tpu.memory_space<hbm>> -> memref<1x32x10000xi32, #tpu.memory_space<hbm>>
      %dma_start3A_19 = tpu.memref_squeeze %dma_start3A_18 : memref<1x32x10000xi32, #tpu.memory_space<hbm>> -> memref<32x10000xi32, #tpu.memory_space<hbm>>
      %dma_start3A_20 = arith.constant 0 : i32
      %dma_start3A_21 = tpu.memref_slice %dma_start3A_19[%add3A, %dma_start3A_20] : memref<32x10000xi32, #tpu.memory_space<hbm>> -> memref<1x10000xi32, #tpu.memory_space<hbm>>
      %dma_start3A_22 = tpu.memref_squeeze %dma_start3A_21 : memref<1x10000xi32, #tpu.memory_space<hbm>> -> memref<10000xi32, #tpu.memory_space<hbm>>
      tpu.enqueue_dma source(%dma_start3A_22 : memref<10000xi32, #tpu.memory_space<hbm>>) target(%arg6 : memref<10000xi32, #tpu.memory_space<vmem>>) target_semaphore(%run_scoped3A_9 : memref<!tpu.dma_semaphore, #tpu.memory_space<semaphore_mem>>)
      %dma_wait3A = arith.constant 0 : i32
      %dma_wait3A_23 = arith.constant 0 : i32
      %dma_wait3A_24 = tpu.memref_slice %arg2[%run_scoped3A, %dma_wait3A, %dma_wait3A_23] : memref<2x32x10000xi32, #tpu.memory_space<hbm>> -> memref<1x32x10000xi32, #tpu.memory_space<hbm>>
      %dma_wait3A_25 = tpu.memref_squeeze %dma_wait3A_24 : memref<1x32x10000xi32, #tpu.memory_space<hbm>> -> memref<32x10000xi32, #tpu.memory_space<hbm>>
      %dma_wait3A_26 = arith.constant 0 : i32
      %dma_wait3A_27 = tpu.memref_slice %dma_wait3A_25[%add3A, %dma_wait3A_26] : memref<32x10000xi32, #tpu.memory_space<hbm>> -> memref<1x10000xi32, #tpu.memory_space<hbm>>
      %dma_wait3A_28 = tpu.memref_squeeze %dma_wait3A_27 : memref<1x10000xi32, #tpu.memory_space<hbm>> -> memref<10000xi32, #tpu.memory_space<hbm>>
      %dma_wait3A_29 = arith.constant 0 : i32
      %dma_wait3A_30 = arith.constant 0 : i32
      %dma_wait3A_31 = tpu.memref_slice %arg2[%run_scoped3A, %dma_wait3A_29, %dma_wait3A_30] : memref<2x32x10000xi32, #tpu.memory_space<hbm>> -> memref<1x32x10000xi32, #tpu.memory_space<hbm>>
      %dma_wait3A_32 = tpu.memref_squeeze %dma_wait3A_31 : memref<1x32x10000xi32, #tpu.memory_space<hbm>> -> memref<32x10000xi32, #tpu.memory_space<hbm>>
      %dma_wait3A_33 = arith.constant 0 : i32
      %dma_wait3A_34 = tpu.memref_slice %dma_wait3A_32[%add3A, %dma_wait3A_33] : memref<32x10000xi32, #tpu.memory_space<hbm>> -> memref<1x10000xi32, #tpu.memory_space<hbm>>
      %dma_wait3A_35 = tpu.memref_squeeze %dma_wait3A_34 : memref<1x10000xi32, #tpu.memory_space<hbm>> -> memref<10000xi32, #tpu.memory_space<hbm>>
      tpu.wait_dma2 semaphore(%run_scoped3A_9 : memref<!tpu.dma_semaphore, #tpu.memory_space<semaphore_mem>>) src(%dma_wait3A_35 : memref<10000xi32, #tpu.memory_space<hbm>>) dst(%arg6 : memref<10000xi32, #tpu.memory_space<vmem>>)
      tpu.yield
    }) : () -> ()
    "tpu.region"() ({
      %run_scoped3A_9 = tpu.sem_alloc : memref<!tpu.dma_semaphore, #tpu.memory_space<semaphore_mem>>
      tpu.enqueue_dma source(%arg3 : memref<10000xf32, #tpu.memory_space<hbm>>) target(%arg7 : memref<10000xf32, #tpu.memory_space<vmem>>) target_semaphore(%run_scoped3A_9 : memref<!tpu.dma_semaphore, #tpu.memory_space<semaphore_mem>>)
      tpu.wait_dma2 semaphore(%run_scoped3A_9 : memref<!tpu.dma_semaphore, #tpu.memory_space<semaphore_mem>>) src(%arg3 : memref<10000xf32, #tpu.memory_space<hbm>>) dst(%arg7 : memref<10000xf32, #tpu.memory_space<vmem>>)
      tpu.yield
    }) : () -> ()
    %barrier3A = arith.constant 0 : index
    tpu.barrier barrier_id(%barrier3A)
    "tpu.region"() ({
      %run_scoped3A_9 = tpu.sem_alloc : memref<!tpu.dma_semaphore, #tpu.memory_space<semaphore_mem>>
      %dma_start3A = arith.constant 0 : i32
      %dma_start3A_10 = tpu.memref_slice %arg8[%dma_start3A] : memref<10240xf32, #tpu.memory_space<vmem_shared>> -> memref<10240xf32, #tpu.memory_space<vmem_shared>>
      tpu.enqueue_indirect_dma source(%arg7 : memref<10000xf32, #tpu.memory_space<vmem>>) target(%dma_start3A_10 : memref<10240xf32, #tpu.memory_space<vmem_shared>>) offsets(%arg6 : memref<10000xi32, #tpu.memory_space<vmem>>) semaphore(%run_scoped3A_9 : memref<!tpu.dma_semaphore, #tpu.memory_space<semaphore_mem>>) {add = true}
      %dma_wait3A = arith.constant 0 : i32
      %dma_wait3A_11 = tpu.memref_slice %arg8[%dma_wait3A] : memref<10240xf32, #tpu.memory_space<vmem_shared>> -> memref<10240xf32, #tpu.memory_space<vmem_shared>>
      tpu.wait_indirect_dma semaphore(%run_scoped3A_9 : memref<!tpu.dma_semaphore, #tpu.memory_space<semaphore_mem>>) src(%arg7 : memref<10000xf32, #tpu.memory_space<vmem>>) dst(%dma_wait3A_11 : memref<10240xf32, #tpu.memory_space<vmem_shared>>)
      tpu.yield
    }) : () -> ()
    %barrier3A_3 = arith.constant 0 : index
    tpu.barrier barrier_id(%barrier3A_3)
    %eq3A_4 = arith.constant 0 : i32
    %eq3A_5 = arith.cmpi eq, %arg1, %eq3A_4 : i32
    %convert_element_type3A_6 = arith.extui %eq3A_5 : i1 to i32
    %cond3A_7 = arith.constant 0 : i32
    %cond3A_8 = arith.cmpi ne, %convert_element_type3A_6, %cond3A_7 : i32
    scf.if %cond3A_8 {
      "tpu.region"() ({
        %run_scoped3A_9 = tpu.sem_alloc : memref<!tpu.dma_semaphore, #tpu.memory_space<semaphore_mem>>
        %dma_start3A = arith.constant 0 : i32
        %dma_start3A_10 = tpu.memref_slice %arg5[%arg0, %dma_start3A] : memref<2x10240xf32, #tpu.memory_space<hbm>> -> memref<1x10240xf32, #tpu.memory_space<hbm>>
        %dma_start3A_11 = tpu.memref_squeeze %dma_start3A_10 : memref<1x10240xf32, #tpu.memory_space<hbm>> -> memref<10240xf32, #tpu.memory_space<hbm>>
        tpu.enqueue_dma source(%arg8 : memref<10240xf32, #tpu.memory_space<vmem_shared>>) target(%dma_start3A_11 : memref<10240xf32, #tpu.memory_space<hbm>>) target_semaphore(%run_scoped3A_9 : memref<!tpu.dma_semaphore, #tpu.memory_space<semaphore_mem>>)
        %dma_wait3A = arith.constant 0 : i32
        %dma_wait3A_12 = tpu.memref_slice %arg5[%arg0, %dma_wait3A] : memref<2x10240xf32, #tpu.memory_space<hbm>> -> memref<1x10240xf32, #tpu.memory_space<hbm>>
        %dma_wait3A_13 = tpu.memref_squeeze %dma_wait3A_12 : memref<1x10240xf32, #tpu.memory_space<hbm>> -> memref<10240xf32, #tpu.memory_space<hbm>>
        tpu.wait_dma2 semaphore(%run_scoped3A_9 : memref<!tpu.dma_semaphore, #tpu.memory_space<semaphore_mem>>) src(%arg8 : memref<10240xf32, #tpu.memory_space<vmem_shared>>) dst(%dma_wait3A_13 : memref<10240xf32, #tpu.memory_space<hbm>>)
        tpu.yield
      }) : () -> ()
    } else {
    }
    return
  }
}

#map = affine_map<(d0, d1) -> (0, 0, 0)>
#map1 = affine_map<(d0, d1) -> (0)>
#map2 = affine_map<(d0, d1) -> (0, 0)>
module attributes {stable_mosaic.version = 14 : i64} {
  func.func @_sc_agg_body(%arg0: i32, %arg1: i32, %arg2: memref<2x32x10000xi32, #tpu.memory_space<hbm>>, %arg3: memref<10240xf32, #tpu.memory_space<hbm>>, %arg4: memref<2x10240xf32, #tpu.memory_space<hbm>>, %arg5: memref<10240xf32, #tpu.memory_space<hbm>>, %arg6: memref<2x10240xf32, #tpu.memory_space<hbm>>, %arg7: memref<10240xf32, #tpu.memory_space<hbm>>, %arg8: memref<10240xf32, #tpu.memory_space<hbm>>, %arg9: memref<10000xi32, #tpu.memory_space<vmem>>, %arg10: memref<10000xi32, #tpu.memory_space<vmem>>, %arg11: memref<10000xf32, #tpu.memory_space<vmem>>, %arg12: memref<640xf32, #tpu.memory_space<vmem>>, %arg13: memref<640xf32, #tpu.memory_space<vmem>>, %arg14: memref<640xf32, #tpu.memory_space<vmem>>, %arg15: memref<640xf32, #tpu.memory_space<vmem>>, %arg16: memref<640xf32, #tpu.memory_space<vmem>>, %arg17: memref<640xf32, #tpu.memory_space<vmem>>, %arg18: memref<640xf32, #tpu.memory_space<vmem>>, %arg19: memref<10240xf32, #tpu.memory_space<vmem_shared>>, %arg20: memref<10240xf32, #tpu.memory_space<vmem_shared>>) attributes {dimension_semantics = [#tpu.dimension_semantics<core_parallel>, #tpu.dimension_semantics<subcore_parallel>], iteration_bounds = array<i64: 2, 16>, scalar_prefetch = 0 : i64, scratch_operands = 12 : i64, tpu.core_type = #tpu.core_type<sc_vector_subcore>, window_params = [{transform_indices = #map}, {transform_indices = #map1}, {transform_indices = #map2}, {transform_indices = #map1}, {transform_indices = #map2}, {transform_indices = #map1}, {transform_indices = #map1}]} {
    %mul3A = arith.constant 16 : i32
    %mul3A_0 = arith.muli %arg0, %mul3A : i32
    %add3A = arith.addi %mul3A_0, %arg1 : i32
    %mul3A_1 = arith.constant 640 : i32
    %mul3A_2 = arith.muli %arg1, %mul3A_1 : i32
    "tpu.region"() ({
      %run_scoped3A_19 = tpu.sem_alloc : memref<!tpu.dma_semaphore, #tpu.memory_space<semaphore_mem>>
      %dma_start3A = tpu.memref_slice %arg20[%mul3A_2] : memref<10240xf32, #tpu.memory_space<vmem_shared>> -> memref<640xf32, #tpu.memory_space<vmem_shared>>
      %dma_start3A_20 = tpu.memref_slice %arg5[%mul3A_2] : memref<10240xf32, #tpu.memory_space<hbm>> -> memref<640xf32, #tpu.memory_space<hbm>>
      tpu.enqueue_dma source(%dma_start3A_20 : memref<640xf32, #tpu.memory_space<hbm>>) target(%dma_start3A : memref<640xf32, #tpu.memory_space<vmem_shared>>) target_semaphore(%run_scoped3A_19 : memref<!tpu.dma_semaphore, #tpu.memory_space<semaphore_mem>>)
      %dma_wait3A = tpu.memref_slice %arg20[%mul3A_2] : memref<10240xf32, #tpu.memory_space<vmem_shared>> -> memref<640xf32, #tpu.memory_space<vmem_shared>>
      %dma_wait3A_21 = tpu.memref_slice %arg5[%mul3A_2] : memref<10240xf32, #tpu.memory_space<hbm>> -> memref<640xf32, #tpu.memory_space<hbm>>
      tpu.wait_dma2 semaphore(%run_scoped3A_19 : memref<!tpu.dma_semaphore, #tpu.memory_space<semaphore_mem>>) src(%dma_wait3A_21 : memref<640xf32, #tpu.memory_space<hbm>>) dst(%dma_wait3A : memref<640xf32, #tpu.memory_space<vmem_shared>>)
      tpu.yield
    }) : () -> ()
    %run_scoped3A = arith.constant 0 : i32
    "tpu.region"() ({
      %run_scoped3A_19 = tpu.sem_alloc : memref<!tpu.dma_semaphore, #tpu.memory_space<semaphore_mem>>
      %dma_start3A = arith.constant 0 : i32
      %dma_start3A_20 = arith.constant 0 : i32
      %dma_start3A_21 = tpu.memref_slice %arg2[%run_scoped3A, %dma_start3A, %dma_start3A_20] : memref<2x32x10000xi32, #tpu.memory_space<hbm>> -> memref<1x32x10000xi32, #tpu.memory_space<hbm>>
      %dma_start3A_22 = tpu.memref_squeeze %dma_start3A_21 : memref<1x32x10000xi32, #tpu.memory_space<hbm>> -> memref<32x10000xi32, #tpu.memory_space<hbm>>
      %dma_start3A_23 = arith.constant 0 : i32
      %dma_start3A_24 = tpu.memref_slice %dma_start3A_22[%add3A, %dma_start3A_23] : memref<32x10000xi32, #tpu.memory_space<hbm>> -> memref<1x10000xi32, #tpu.memory_space<hbm>>
      %dma_start3A_25 = tpu.memref_squeeze %dma_start3A_24 : memref<1x10000xi32, #tpu.memory_space<hbm>> -> memref<10000xi32, #tpu.memory_space<hbm>>
      %dma_start3A_26 = arith.constant 0 : i32
      %dma_start3A_27 = arith.constant 0 : i32
      %dma_start3A_28 = tpu.memref_slice %arg2[%run_scoped3A, %dma_start3A_26, %dma_start3A_27] : memref<2x32x10000xi32, #tpu.memory_space<hbm>> -> memref<1x32x10000xi32, #tpu.memory_space<hbm>>
      %dma_start3A_29 = tpu.memref_squeeze %dma_start3A_28 : memref<1x32x10000xi32, #tpu.memory_space<hbm>> -> memref<32x10000xi32, #tpu.memory_space<hbm>>
      %dma_start3A_30 = arith.constant 0 : i32
      %dma_start3A_31 = tpu.memref_slice %dma_start3A_29[%add3A, %dma_start3A_30] : memref<32x10000xi32, #tpu.memory_space<hbm>> -> memref<1x10000xi32, #tpu.memory_space<hbm>>
      %dma_start3A_32 = tpu.memref_squeeze %dma_start3A_31 : memref<1x10000xi32, #tpu.memory_space<hbm>> -> memref<10000xi32, #tpu.memory_space<hbm>>
      tpu.enqueue_dma source(%dma_start3A_32 : memref<10000xi32, #tpu.memory_space<hbm>>) target(%arg9 : memref<10000xi32, #tpu.memory_space<vmem>>) target_semaphore(%run_scoped3A_19 : memref<!tpu.dma_semaphore, #tpu.memory_space<semaphore_mem>>)
      %dma_wait3A = arith.constant 0 : i32
      %dma_wait3A_33 = arith.constant 0 : i32
      %dma_wait3A_34 = tpu.memref_slice %arg2[%run_scoped3A, %dma_wait3A, %dma_wait3A_33] : memref<2x32x10000xi32, #tpu.memory_space<hbm>> -> memref<1x32x10000xi32, #tpu.memory_space<hbm>>
      %dma_wait3A_35 = tpu.memref_squeeze %dma_wait3A_34 : memref<1x32x10000xi32, #tpu.memory_space<hbm>> -> memref<32x10000xi32, #tpu.memory_space<hbm>>
      %dma_wait3A_36 = arith.constant 0 : i32
      %dma_wait3A_37 = tpu.memref_slice %dma_wait3A_35[%add3A, %dma_wait3A_36] : memref<32x10000xi32, #tpu.memory_space<hbm>> -> memref<1x10000xi32, #tpu.memory_space<hbm>>
      %dma_wait3A_38 = tpu.memref_squeeze %dma_wait3A_37 : memref<1x10000xi32, #tpu.memory_space<hbm>> -> memref<10000xi32, #tpu.memory_space<hbm>>
      %dma_wait3A_39 = arith.constant 0 : i32
      %dma_wait3A_40 = arith.constant 0 : i32
      %dma_wait3A_41 = tpu.memref_slice %arg2[%run_scoped3A, %dma_wait3A_39, %dma_wait3A_40] : memref<2x32x10000xi32, #tpu.memory_space<hbm>> -> memref<1x32x10000xi32, #tpu.memory_space<hbm>>
      %dma_wait3A_42 = tpu.memref_squeeze %dma_wait3A_41 : memref<1x32x10000xi32, #tpu.memory_space<hbm>> -> memref<32x10000xi32, #tpu.memory_space<hbm>>
      %dma_wait3A_43 = arith.constant 0 : i32
      %dma_wait3A_44 = tpu.memref_slice %dma_wait3A_42[%add3A, %dma_wait3A_43] : memref<32x10000xi32, #tpu.memory_space<hbm>> -> memref<1x10000xi32, #tpu.memory_space<hbm>>
      %dma_wait3A_45 = tpu.memref_squeeze %dma_wait3A_44 : memref<1x10000xi32, #tpu.memory_space<hbm>> -> memref<10000xi32, #tpu.memory_space<hbm>>
      tpu.wait_dma2 semaphore(%run_scoped3A_19 : memref<!tpu.dma_semaphore, #tpu.memory_space<semaphore_mem>>) src(%dma_wait3A_45 : memref<10000xi32, #tpu.memory_space<hbm>>) dst(%arg9 : memref<10000xi32, #tpu.memory_space<vmem>>)
      tpu.yield
    }) : () -> ()
    %run_scoped3A_3 = arith.constant 1 : i32
    "tpu.region"() ({
      %run_scoped3A_19 = tpu.sem_alloc : memref<!tpu.dma_semaphore, #tpu.memory_space<semaphore_mem>>
      %dma_start3A = arith.constant 0 : i32
      %dma_start3A_20 = arith.constant 0 : i32
      %dma_start3A_21 = tpu.memref_slice %arg2[%run_scoped3A_3, %dma_start3A, %dma_start3A_20] : memref<2x32x10000xi32, #tpu.memory_space<hbm>> -> memref<1x32x10000xi32, #tpu.memory_space<hbm>>
      %dma_start3A_22 = tpu.memref_squeeze %dma_start3A_21 : memref<1x32x10000xi32, #tpu.memory_space<hbm>> -> memref<32x10000xi32, #tpu.memory_space<hbm>>
      %dma_start3A_23 = arith.constant 0 : i32
      %dma_start3A_24 = tpu.memref_slice %dma_start3A_22[%add3A, %dma_start3A_23] : memref<32x10000xi32, #tpu.memory_space<hbm>> -> memref<1x10000xi32, #tpu.memory_space<hbm>>
      %dma_start3A_25 = tpu.memref_squeeze %dma_start3A_24 : memref<1x10000xi32, #tpu.memory_space<hbm>> -> memref<10000xi32, #tpu.memory_space<hbm>>
      %dma_start3A_26 = arith.constant 0 : i32
      %dma_start3A_27 = arith.constant 0 : i32
      %dma_start3A_28 = tpu.memref_slice %arg2[%run_scoped3A_3, %dma_start3A_26, %dma_start3A_27] : memref<2x32x10000xi32, #tpu.memory_space<hbm>> -> memref<1x32x10000xi32, #tpu.memory_space<hbm>>
      %dma_start3A_29 = tpu.memref_squeeze %dma_start3A_28 : memref<1x32x10000xi32, #tpu.memory_space<hbm>> -> memref<32x10000xi32, #tpu.memory_space<hbm>>
      %dma_start3A_30 = arith.constant 0 : i32
      %dma_start3A_31 = tpu.memref_slice %dma_start3A_29[%add3A, %dma_start3A_30] : memref<32x10000xi32, #tpu.memory_space<hbm>> -> memref<1x10000xi32, #tpu.memory_space<hbm>>
      %dma_start3A_32 = tpu.memref_squeeze %dma_start3A_31 : memref<1x10000xi32, #tpu.memory_space<hbm>> -> memref<10000xi32, #tpu.memory_space<hbm>>
      tpu.enqueue_dma source(%dma_start3A_32 : memref<10000xi32, #tpu.memory_space<hbm>>) target(%arg10 : memref<10000xi32, #tpu.memory_space<vmem>>) target_semaphore(%run_scoped3A_19 : memref<!tpu.dma_semaphore, #tpu.memory_space<semaphore_mem>>)
      %dma_wait3A = arith.constant 0 : i32
      %dma_wait3A_33 = arith.constant 0 : i32
      %dma_wait3A_34 = tpu.memref_slice %arg2[%run_scoped3A_3, %dma_wait3A, %dma_wait3A_33] : memref<2x32x10000xi32, #tpu.memory_space<hbm>> -> memref<1x32x10000xi32, #tpu.memory_space<hbm>>
      %dma_wait3A_35 = tpu.memref_squeeze %dma_wait3A_34 : memref<1x32x10000xi32, #tpu.memory_space<hbm>> -> memref<32x10000xi32, #tpu.memory_space<hbm>>
      %dma_wait3A_36 = arith.constant 0 : i32
      %dma_wait3A_37 = tpu.memref_slice %dma_wait3A_35[%add3A, %dma_wait3A_36] : memref<32x10000xi32, #tpu.memory_space<hbm>> -> memref<1x10000xi32, #tpu.memory_space<hbm>>
      %dma_wait3A_38 = tpu.memref_squeeze %dma_wait3A_37 : memref<1x10000xi32, #tpu.memory_space<hbm>> -> memref<10000xi32, #tpu.memory_space<hbm>>
      %dma_wait3A_39 = arith.constant 0 : i32
      %dma_wait3A_40 = arith.constant 0 : i32
      %dma_wait3A_41 = tpu.memref_slice %arg2[%run_scoped3A_3, %dma_wait3A_39, %dma_wait3A_40] : memref<2x32x10000xi32, #tpu.memory_space<hbm>> -> memref<1x32x10000xi32, #tpu.memory_space<hbm>>
      %dma_wait3A_42 = tpu.memref_squeeze %dma_wait3A_41 : memref<1x32x10000xi32, #tpu.memory_space<hbm>> -> memref<32x10000xi32, #tpu.memory_space<hbm>>
      %dma_wait3A_43 = arith.constant 0 : i32
      %dma_wait3A_44 = tpu.memref_slice %dma_wait3A_42[%add3A, %dma_wait3A_43] : memref<32x10000xi32, #tpu.memory_space<hbm>> -> memref<1x10000xi32, #tpu.memory_space<hbm>>
      %dma_wait3A_45 = tpu.memref_squeeze %dma_wait3A_44 : memref<1x10000xi32, #tpu.memory_space<hbm>> -> memref<10000xi32, #tpu.memory_space<hbm>>
      tpu.wait_dma2 semaphore(%run_scoped3A_19 : memref<!tpu.dma_semaphore, #tpu.memory_space<semaphore_mem>>) src(%dma_wait3A_45 : memref<10000xi32, #tpu.memory_space<hbm>>) dst(%arg10 : memref<10000xi32, #tpu.memory_space<vmem>>)
      tpu.yield
    }) : () -> ()
    %run_scoped3A_4 = arith.constant 0 : i32
    "tpu.region"() ({
      %run_scoped3A_19 = tpu.sem_alloc : memref<!tpu.dma_semaphore, #tpu.memory_space<semaphore_mem>>
      %dma_start3A = arith.constant 0 : i32
      %dma_start3A_20 = tpu.memref_slice %arg4[%run_scoped3A_4, %dma_start3A] : memref<2x10240xf32, #tpu.memory_space<hbm>> -> memref<1x10240xf32, #tpu.memory_space<hbm>>
      %dma_start3A_21 = tpu.memref_squeeze %dma_start3A_20 : memref<1x10240xf32, #tpu.memory_space<hbm>> -> memref<10240xf32, #tpu.memory_space<hbm>>
      %dma_start3A_22 = tpu.memref_slice %dma_start3A_21[%mul3A_2] : memref<10240xf32, #tpu.memory_space<hbm>> -> memref<640xf32, #tpu.memory_space<hbm>>
      %dma_start3A_23 = arith.constant 0 : i32
      %dma_start3A_24 = tpu.memref_slice %arg4[%run_scoped3A_4, %dma_start3A_23] : memref<2x10240xf32, #tpu.memory_space<hbm>> -> memref<1x10240xf32, #tpu.memory_space<hbm>>
      %dma_start3A_25 = tpu.memref_squeeze %dma_start3A_24 : memref<1x10240xf32, #tpu.memory_space<hbm>> -> memref<10240xf32, #tpu.memory_space<hbm>>
      %dma_start3A_26 = tpu.memref_slice %dma_start3A_25[%mul3A_2] : memref<10240xf32, #tpu.memory_space<hbm>> -> memref<640xf32, #tpu.memory_space<hbm>>
      tpu.enqueue_dma source(%dma_start3A_26 : memref<640xf32, #tpu.memory_space<hbm>>) target(%arg12 : memref<640xf32, #tpu.memory_space<vmem>>) target_semaphore(%run_scoped3A_19 : memref<!tpu.dma_semaphore, #tpu.memory_space<semaphore_mem>>)
      %dma_wait3A = arith.constant 0 : i32
      %dma_wait3A_27 = tpu.memref_slice %arg4[%run_scoped3A_4, %dma_wait3A] : memref<2x10240xf32, #tpu.memory_space<hbm>> -> memref<1x10240xf32, #tpu.memory_space<hbm>>
      %dma_wait3A_28 = tpu.memref_squeeze %dma_wait3A_27 : memref<1x10240xf32, #tpu.memory_space<hbm>> -> memref<10240xf32, #tpu.memory_space<hbm>>
      %dma_wait3A_29 = tpu.memref_slice %dma_wait3A_28[%mul3A_2] : memref<10240xf32, #tpu.memory_space<hbm>> -> memref<640xf32, #tpu.memory_space<hbm>>
      %dma_wait3A_30 = arith.constant 0 : i32
      %dma_wait3A_31 = tpu.memref_slice %arg4[%run_scoped3A_4, %dma_wait3A_30] : memref<2x10240xf32, #tpu.memory_space<hbm>> -> memref<1x10240xf32, #tpu.memory_space<hbm>>
      %dma_wait3A_32 = tpu.memref_squeeze %dma_wait3A_31 : memref<1x10240xf32, #tpu.memory_space<hbm>> -> memref<10240xf32, #tpu.memory_space<hbm>>
      %dma_wait3A_33 = tpu.memref_slice %dma_wait3A_32[%mul3A_2] : memref<10240xf32, #tpu.memory_space<hbm>> -> memref<640xf32, #tpu.memory_space<hbm>>
      tpu.wait_dma2 semaphore(%run_scoped3A_19 : memref<!tpu.dma_semaphore, #tpu.memory_space<semaphore_mem>>) src(%dma_wait3A_33 : memref<640xf32, #tpu.memory_space<hbm>>) dst(%arg12 : memref<640xf32, #tpu.memory_space<vmem>>)
      tpu.yield
    }) : () -> ()
    %run_scoped3A_5 = arith.constant 1 : i32
    "tpu.region"() ({
      %run_scoped3A_19 = tpu.sem_alloc : memref<!tpu.dma_semaphore, #tpu.memory_space<semaphore_mem>>
      %dma_start3A = arith.constant 0 : i32
      %dma_start3A_20 = tpu.memref_slice %arg4[%run_scoped3A_5, %dma_start3A] : memref<2x10240xf32, #tpu.memory_space<hbm>> -> memref<1x10240xf32, #tpu.memory_space<hbm>>
      %dma_start3A_21 = tpu.memref_squeeze %dma_start3A_20 : memref<1x10240xf32, #tpu.memory_space<hbm>> -> memref<10240xf32, #tpu.memory_space<hbm>>
      %dma_start3A_22 = tpu.memref_slice %dma_start3A_21[%mul3A_2] : memref<10240xf32, #tpu.memory_space<hbm>> -> memref<640xf32, #tpu.memory_space<hbm>>
      %dma_start3A_23 = arith.constant 0 : i32
      %dma_start3A_24 = tpu.memref_slice %arg4[%run_scoped3A_5, %dma_start3A_23] : memref<2x10240xf32, #tpu.memory_space<hbm>> -> memref<1x10240xf32, #tpu.memory_space<hbm>>
      %dma_start3A_25 = tpu.memref_squeeze %dma_start3A_24 : memref<1x10240xf32, #tpu.memory_space<hbm>> -> memref<10240xf32, #tpu.memory_space<hbm>>
      %dma_start3A_26 = tpu.memref_slice %dma_start3A_25[%mul3A_2] : memref<10240xf32, #tpu.memory_space<hbm>> -> memref<640xf32, #tpu.memory_space<hbm>>
      tpu.enqueue_dma source(%dma_start3A_26 : memref<640xf32, #tpu.memory_space<hbm>>) target(%arg13 : memref<640xf32, #tpu.memory_space<vmem>>) target_semaphore(%run_scoped3A_19 : memref<!tpu.dma_semaphore, #tpu.memory_space<semaphore_mem>>)
      %dma_wait3A = arith.constant 0 : i32
      %dma_wait3A_27 = tpu.memref_slice %arg4[%run_scoped3A_5, %dma_wait3A] : memref<2x10240xf32, #tpu.memory_space<hbm>> -> memref<1x10240xf32, #tpu.memory_space<hbm>>
      %dma_wait3A_28 = tpu.memref_squeeze %dma_wait3A_27 : memref<1x10240xf32, #tpu.memory_space<hbm>> -> memref<10240xf32, #tpu.memory_space<hbm>>
      %dma_wait3A_29 = tpu.memref_slice %dma_wait3A_28[%mul3A_2] : memref<10240xf32, #tpu.memory_space<hbm>> -> memref<640xf32, #tpu.memory_space<hbm>>
      %dma_wait3A_30 = arith.constant 0 : i32
      %dma_wait3A_31 = tpu.memref_slice %arg4[%run_scoped3A_5, %dma_wait3A_30] : memref<2x10240xf32, #tpu.memory_space<hbm>> -> memref<1x10240xf32, #tpu.memory_space<hbm>>
      %dma_wait3A_32 = tpu.memref_squeeze %dma_wait3A_31 : memref<1x10240xf32, #tpu.memory_space<hbm>> -> memref<10240xf32, #tpu.memory_space<hbm>>
      %dma_wait3A_33 = tpu.memref_slice %dma_wait3A_32[%mul3A_2] : memref<10240xf32, #tpu.memory_space<hbm>> -> memref<640xf32, #tpu.memory_space<hbm>>
      tpu.wait_dma2 semaphore(%run_scoped3A_19 : memref<!tpu.dma_semaphore, #tpu.memory_space<semaphore_mem>>) src(%dma_wait3A_33 : memref<640xf32, #tpu.memory_space<hbm>>) dst(%arg13 : memref<640xf32, #tpu.memory_space<vmem>>)
      tpu.yield
    }) : () -> ()
    "tpu.region"() ({
      %run_scoped3A_19 = tpu.sem_alloc : memref<!tpu.dma_semaphore, #tpu.memory_space<semaphore_mem>>
      %dma_start3A = tpu.memref_slice %arg3[%mul3A_2] : memref<10240xf32, #tpu.memory_space<hbm>> -> memref<640xf32, #tpu.memory_space<hbm>>
      %dma_start3A_20 = tpu.memref_slice %arg3[%mul3A_2] : memref<10240xf32, #tpu.memory_space<hbm>> -> memref<640xf32, #tpu.memory_space<hbm>>
      tpu.enqueue_dma source(%dma_start3A_20 : memref<640xf32, #tpu.memory_space<hbm>>) target(%arg14 : memref<640xf32, #tpu.memory_space<vmem>>) target_semaphore(%run_scoped3A_19 : memref<!tpu.dma_semaphore, #tpu.memory_space<semaphore_mem>>)
      %dma_wait3A = tpu.memref_slice %arg3[%mul3A_2] : memref<10240xf32, #tpu.memory_space<hbm>> -> memref<640xf32, #tpu.memory_space<hbm>>
      %dma_wait3A_21 = tpu.memref_slice %arg3[%mul3A_2] : memref<10240xf32, #tpu.memory_space<hbm>> -> memref<640xf32, #tpu.memory_space<hbm>>
      tpu.wait_dma2 semaphore(%run_scoped3A_19 : memref<!tpu.dma_semaphore, #tpu.memory_space<semaphore_mem>>) src(%dma_wait3A_21 : memref<640xf32, #tpu.memory_space<hbm>>) dst(%arg14 : memref<640xf32, #tpu.memory_space<vmem>>)
      tpu.yield
    }) : () -> ()
    %scan3A = arith.constant 0 : i32
    %scan3A_6 = arith.constant 0 : i32
    %scan3A_7 = arith.constant 40 : i32
    %scan3A_8 = arith.addi %scan3A_6, %scan3A_7 : i32
    %scan3A_9 = arith.constant 1 : i32
    scf.for %scan3A_19 = %scan3A_6 to %scan3A_8 step %scan3A_9  : i32 {
      %mul3A_20 = arith.constant 16 : i32
      %mul3A_21 = arith.muli %scan3A_19, %mul3A_20 : i32
      %get3A = arith.index_cast %mul3A_21 : i32 to index
      %get3A_22 = tpu.vector_load %arg12[%get3A] {strides = array<i32>} : memref<640xf32, #tpu.memory_space<vmem>>, vector<16xf32>,
      %get3A_23 = vector.shape_cast %get3A_22 : vector<16xf32> to vector<16xf32>
      %get3A_24 = arith.index_cast %mul3A_21 : i32 to index
      %get3A_25 = tpu.vector_load %arg13[%get3A_24] {strides = array<i32>} : memref<640xf32, #tpu.memory_space<vmem>>, vector<16xf32>,
      %get3A_26 = vector.shape_cast %get3A_25 : vector<16xf32> to vector<16xf32>
      %add3A_27 = arith.addf %get3A_23, %get3A_26 : vector<16xf32>
      %add3A_28 = arith.constant 1.000000e+00 : f32
      %add3A_29 = vector.broadcast %add3A_28 : f32 to vector<16xf32>
      %add3A_30 = arith.addf %add3A_27, %add3A_29 : vector<16xf32>
      %bitcast_convert_type3A = tpu.bitcast %add3A_30 : vector<16xf32> -> vector<16xi32>
      %shift_right_logical3A = arith.constant 1 : i32
      %shift_right_logical3A_31 = vector.broadcast %shift_right_logical3A : i32 to vector<16xi32>
      %shift_right_logical3A_32 = arith.shrui %bitcast_convert_type3A, %shift_right_logical3A_31 : vector<16xi32>
      %sub3A = arith.constant 1597463007 : i32
      %sub3A_33 = vector.broadcast %sub3A : i32 to vector<16xi32>
      %sub3A_34 = arith.subi %sub3A_33, %shift_right_logical3A_32 : vector<16xi32>
      %bitcast_convert_type3A_35 = tpu.bitcast %sub3A_34 : vector<16xi32> -> vector<16xf32>
      %mul3A_36 = arith.constant 5.000000e-01 : f32
      %mul3A_37 = vector.broadcast %mul3A_36 : f32 to vector<16xf32>
      %mul3A_38 = arith.mulf %mul3A_37, %add3A_30 : vector<16xf32>
      %mul3A_39 = arith.mulf %mul3A_38, %bitcast_convert_type3A_35 : vector<16xf32>
      %mul3A_40 = arith.mulf %mul3A_39, %bitcast_convert_type3A_35 : vector<16xf32>
      %sub3A_41 = arith.constant 1.500000e+00 : f32
      %sub3A_42 = vector.broadcast %sub3A_41 : f32 to vector<16xf32>
      %sub3A_43 = arith.subf %sub3A_42, %mul3A_40 : vector<16xf32>
      %mul3A_44 = arith.mulf %bitcast_convert_type3A_35, %sub3A_43 : vector<16xf32>
      %mul3A_45 = arith.constant 5.000000e-01 : f32
      %mul3A_46 = vector.broadcast %mul3A_45 : f32 to vector<16xf32>
      %mul3A_47 = arith.mulf %mul3A_46, %add3A_30 : vector<16xf32>
      %mul3A_48 = arith.mulf %mul3A_47, %mul3A_44 : vector<16xf32>
      %mul3A_49 = arith.mulf %mul3A_48, %mul3A_44 : vector<16xf32>
      %sub3A_50 = arith.constant 1.500000e+00 : f32
      %sub3A_51 = vector.broadcast %sub3A_50 : f32 to vector<16xf32>
      %sub3A_52 = arith.subf %sub3A_51, %mul3A_49 : vector<16xf32>
      %mul3A_53 = arith.mulf %mul3A_44, %sub3A_52 : vector<16xf32>
      %mul3A_54 = arith.constant 5.000000e-01 : f32
      %mul3A_55 = vector.broadcast %mul3A_54 : f32 to vector<16xf32>
      %mul3A_56 = arith.mulf %mul3A_55, %add3A_30 : vector<16xf32>
      %mul3A_57 = arith.mulf %mul3A_56, %mul3A_53 : vector<16xf32>
      %mul3A_58 = arith.mulf %mul3A_57, %mul3A_53 : vector<16xf32>
      %sub3A_59 = arith.constant 1.500000e+00 : f32
      %sub3A_60 = vector.broadcast %sub3A_59 : f32 to vector<16xf32>
      %sub3A_61 = arith.subf %sub3A_60, %mul3A_58 : vector<16xf32>
      %mul3A_62 = arith.mulf %mul3A_53, %sub3A_61 : vector<16xf32>
      %get3A_63 = arith.index_cast %mul3A_21 : i32 to index
      %get3A_64 = tpu.vector_load %arg14[%get3A_63] {strides = array<i32>} : memref<640xf32, #tpu.memory_space<vmem>>, vector<16xf32>,
      %get3A_65 = vector.shape_cast %get3A_64 : vector<16xf32> to vector<16xf32>
      %mul3A_66 = arith.mulf %get3A_65, %mul3A_62 : vector<16xf32>
      %swap3A = arith.index_cast %mul3A_21 : i32 to index
      %swap3A_67 = tpu.vector_load %arg15[%swap3A] {strides = array<i32>} : memref<640xf32, #tpu.memory_space<vmem>>, vector<16xf32>,
      %swap3A_68 = vector.shape_cast %swap3A_67 : vector<16xf32> to vector<16xf32>
      %swap3A_69 = vector.shape_cast %mul3A_66 : vector<16xf32> to vector<16xf32>
      tpu.vector_store %arg15[%swap3A], %swap3A_69 {strides = array<i32>} : memref<640xf32, #tpu.memory_space<vmem>>, vector<16xf32>,
      %swap3A_70 = arith.index_cast %mul3A_21 : i32 to index
      %swap3A_71 = tpu.vector_load %arg16[%swap3A_70] {strides = array<i32>} : memref<640xf32, #tpu.memory_space<vmem>>, vector<16xf32>,
      %swap3A_72 = vector.shape_cast %swap3A_71 : vector<16xf32> to vector<16xf32>
      %swap3A_73 = vector.shape_cast %mul3A_62 : vector<16xf32> to vector<16xf32>
      tpu.vector_store %arg16[%swap3A_70], %swap3A_73 {strides = array<i32>} : memref<640xf32, #tpu.memory_space<vmem>>, vector<16xf32>,
    }
    %scan3A_10 = arith.constant 40 : i32
    "tpu.region"() ({
      %run_scoped3A_19 = tpu.sem_alloc : memref<!tpu.dma_semaphore, #tpu.memory_space<semaphore_mem>>
      %dma_start3A = tpu.memref_slice %arg19[%mul3A_2] : memref<10240xf32, #tpu.memory_space<vmem_shared>> -> memref<640xf32, #tpu.memory_space<vmem_shared>>
      %dma_start3A_20 = tpu.memref_slice %arg19[%mul3A_2] : memref<10240xf32, #tpu.memory_space<vmem_shared>> -> memref<640xf32, #tpu.memory_space<vmem_shared>>
      tpu.enqueue_dma source(%arg15 : memref<640xf32, #tpu.memory_space<vmem>>) target(%dma_start3A_20 : memref<640xf32, #tpu.memory_space<vmem_shared>>) target_semaphore(%run_scoped3A_19 : memref<!tpu.dma_semaphore, #tpu.memory_space<semaphore_mem>>)
      %dma_wait3A = tpu.memref_slice %arg19[%mul3A_2] : memref<10240xf32, #tpu.memory_space<vmem_shared>> -> memref<640xf32, #tpu.memory_space<vmem_shared>>
      %dma_wait3A_21 = tpu.memref_slice %arg19[%mul3A_2] : memref<10240xf32, #tpu.memory_space<vmem_shared>> -> memref<640xf32, #tpu.memory_space<vmem_shared>>
      tpu.wait_dma2 semaphore(%run_scoped3A_19 : memref<!tpu.dma_semaphore, #tpu.memory_space<semaphore_mem>>) src(%arg15 : memref<640xf32, #tpu.memory_space<vmem>>) dst(%dma_wait3A_21 : memref<640xf32, #tpu.memory_space<vmem_shared>>)
      tpu.yield
    }) : () -> ()
    %eq3A = arith.constant 0 : i32
    %eq3A_11 = arith.cmpi eq, %arg0, %eq3A : i32
    %convert_element_type3A = arith.extui %eq3A_11 : i1 to i32
    %cond3A = arith.constant 0 : i32
    %cond3A_12 = arith.cmpi ne, %convert_element_type3A, %cond3A : i32
    scf.if %cond3A_12 {
      "tpu.region"() ({
        %run_scoped3A_19 = tpu.sem_alloc : memref<!tpu.dma_semaphore, #tpu.memory_space<semaphore_mem>>
        %dma_start3A = tpu.memref_slice %arg7[%mul3A_2] : memref<10240xf32, #tpu.memory_space<hbm>> -> memref<640xf32, #tpu.memory_space<hbm>>
        %dma_start3A_20 = tpu.memref_slice %arg7[%mul3A_2] : memref<10240xf32, #tpu.memory_space<hbm>> -> memref<640xf32, #tpu.memory_space<hbm>>
        tpu.enqueue_dma source(%arg15 : memref<640xf32, #tpu.memory_space<vmem>>) target(%dma_start3A_20 : memref<640xf32, #tpu.memory_space<hbm>>) target_semaphore(%run_scoped3A_19 : memref<!tpu.dma_semaphore, #tpu.memory_space<semaphore_mem>>)
        %dma_wait3A = tpu.memref_slice %arg7[%mul3A_2] : memref<10240xf32, #tpu.memory_space<hbm>> -> memref<640xf32, #tpu.memory_space<hbm>>
        %dma_wait3A_21 = tpu.memref_slice %arg7[%mul3A_2] : memref<10240xf32, #tpu.memory_space<hbm>> -> memref<640xf32, #tpu.memory_space<hbm>>
        tpu.wait_dma2 semaphore(%run_scoped3A_19 : memref<!tpu.dma_semaphore, #tpu.memory_space<semaphore_mem>>) src(%arg15 : memref<640xf32, #tpu.memory_space<vmem>>) dst(%dma_wait3A_21 : memref<640xf32, #tpu.memory_space<hbm>>)
        tpu.yield
      }) : () -> ()
      "tpu.region"() ({
        %run_scoped3A_19 = tpu.sem_alloc : memref<!tpu.dma_semaphore, #tpu.memory_space<semaphore_mem>>
        %dma_start3A = tpu.memref_slice %arg8[%mul3A_2] : memref<10240xf32, #tpu.memory_space<hbm>> -> memref<640xf32, #tpu.memory_space<hbm>>
        %dma_start3A_20 = tpu.memref_slice %arg8[%mul3A_2] : memref<10240xf32, #tpu.memory_space<hbm>> -> memref<640xf32, #tpu.memory_space<hbm>>
        tpu.enqueue_dma source(%arg16 : memref<640xf32, #tpu.memory_space<vmem>>) target(%dma_start3A_20 : memref<640xf32, #tpu.memory_space<hbm>>) target_semaphore(%run_scoped3A_19 : memref<!tpu.dma_semaphore, #tpu.memory_space<semaphore_mem>>)
        %dma_wait3A = tpu.memref_slice %arg8[%mul3A_2] : memref<10240xf32, #tpu.memory_space<hbm>> -> memref<640xf32, #tpu.memory_space<hbm>>
        %dma_wait3A_21 = tpu.memref_slice %arg8[%mul3A_2] : memref<10240xf32, #tpu.memory_space<hbm>> -> memref<640xf32, #tpu.memory_space<hbm>>
        tpu.wait_dma2 semaphore(%run_scoped3A_19 : memref<!tpu.dma_semaphore, #tpu.memory_space<semaphore_mem>>) src(%arg16 : memref<640xf32, #tpu.memory_space<vmem>>) dst(%dma_wait3A_21 : memref<640xf32, #tpu.memory_space<hbm>>)
        tpu.yield
      }) : () -> ()
    } else {
    }
    %barrier3A = arith.constant 0 : index
    tpu.barrier barrier_id(%barrier3A)
    "tpu.region"() ({
      %run_scoped3A_19 = tpu.sem_alloc : memref<!tpu.dma_semaphore, #tpu.memory_space<semaphore_mem>>
      %dma_start3A = arith.constant 0 : i32
      %dma_start3A_20 = tpu.memref_slice %arg19[%dma_start3A] : memref<10240xf32, #tpu.memory_space<vmem_shared>> -> memref<10240xf32, #tpu.memory_space<vmem_shared>>
      tpu.enqueue_indirect_dma source(%dma_start3A_20 : memref<10240xf32, #tpu.memory_space<vmem_shared>>) target(%arg11 : memref<10000xf32, #tpu.memory_space<vmem>>) offsets(%arg9 : memref<10000xi32, #tpu.memory_space<vmem>>) semaphore(%run_scoped3A_19 : memref<!tpu.dma_semaphore, #tpu.memory_space<semaphore_mem>>)
      %dma_wait3A = arith.constant 0 : i32
      %dma_wait3A_21 = tpu.memref_slice %arg19[%dma_wait3A] : memref<10240xf32, #tpu.memory_space<vmem_shared>> -> memref<10240xf32, #tpu.memory_space<vmem_shared>>
      tpu.wait_indirect_dma semaphore(%run_scoped3A_19 : memref<!tpu.dma_semaphore, #tpu.memory_space<semaphore_mem>>) src(%dma_wait3A_21 : memref<10240xf32, #tpu.memory_space<vmem_shared>>) dst(%arg11 : memref<10000xf32, #tpu.memory_space<vmem>>)
      tpu.yield
    }) : () -> ()
    "tpu.region"() ({
      %run_scoped3A_19 = tpu.sem_alloc : memref<!tpu.dma_semaphore, #tpu.memory_space<semaphore_mem>>
      %dma_start3A = arith.constant 0 : i32
      %dma_start3A_20 = tpu.memref_slice %arg20[%dma_start3A] : memref<10240xf32, #tpu.memory_space<vmem_shared>> -> memref<10240xf32, #tpu.memory_space<vmem_shared>>
      tpu.enqueue_indirect_dma source(%arg11 : memref<10000xf32, #tpu.memory_space<vmem>>) target(%dma_start3A_20 : memref<10240xf32, #tpu.memory_space<vmem_shared>>) offsets(%arg10 : memref<10000xi32, #tpu.memory_space<vmem>>) semaphore(%run_scoped3A_19 : memref<!tpu.dma_semaphore, #tpu.memory_space<semaphore_mem>>) {add = true}
      %dma_wait3A = arith.constant 0 : i32
      %dma_wait3A_21 = tpu.memref_slice %arg20[%dma_wait3A] : memref<10240xf32, #tpu.memory_space<vmem_shared>> -> memref<10240xf32, #tpu.memory_space<vmem_shared>>
      tpu.wait_indirect_dma semaphore(%run_scoped3A_19 : memref<!tpu.dma_semaphore, #tpu.memory_space<semaphore_mem>>) src(%arg11 : memref<10000xf32, #tpu.memory_space<vmem>>) dst(%dma_wait3A_21 : memref<10240xf32, #tpu.memory_space<vmem_shared>>)
      tpu.yield
    }) : () -> ()
    %barrier3A_13 = arith.constant 0 : index
    tpu.barrier barrier_id(%barrier3A_13)
    %eq3A_14 = arith.constant 0 : i32
    %eq3A_15 = arith.cmpi eq, %arg1, %eq3A_14 : i32
    %convert_element_type3A_16 = arith.extui %eq3A_15 : i1 to i32
    %cond3A_17 = arith.constant 0 : i32
    %cond3A_18 = arith.cmpi ne, %convert_element_type3A_16, %cond3A_17 : i32
    scf.if %cond3A_18 {
      "tpu.region"() ({
        %run_scoped3A_19 = tpu.sem_alloc : memref<!tpu.dma_semaphore, #tpu.memory_space<semaphore_mem>>
        %dma_start3A = arith.constant 0 : i32
        %dma_start3A_20 = tpu.memref_slice %arg6[%arg0, %dma_start3A] : memref<2x10240xf32, #tpu.memory_space<hbm>> -> memref<1x10240xf32, #tpu.memory_space<hbm>>
        %dma_start3A_21 = tpu.memref_squeeze %dma_start3A_20 : memref<1x10240xf32, #tpu.memory_space<hbm>> -> memref<10240xf32, #tpu.memory_space<hbm>>
        tpu.enqueue_dma source(%arg20 : memref<10240xf32, #tpu.memory_space<vmem_shared>>) target(%dma_start3A_21 : memref<10240xf32, #tpu.memory_space<hbm>>) target_semaphore(%run_scoped3A_19 : memref<!tpu.dma_semaphore, #tpu.memory_space<semaphore_mem>>)
        %dma_wait3A = arith.constant 0 : i32
        %dma_wait3A_22 = tpu.memref_slice %arg6[%arg0, %dma_wait3A] : memref<2x10240xf32, #tpu.memory_space<hbm>> -> memref<1x10240xf32, #tpu.memory_space<hbm>>
        %dma_wait3A_23 = tpu.memref_squeeze %dma_wait3A_22 : memref<1x10240xf32, #tpu.memory_space<hbm>> -> memref<10240xf32, #tpu.memory_space<hbm>>
        tpu.wait_dma2 semaphore(%run_scoped3A_19 : memref<!tpu.dma_semaphore, #tpu.memory_space<semaphore_mem>>) src(%arg20 : memref<10240xf32, #tpu.memory_space<vmem_shared>>) dst(%dma_wait3A_23 : memref<10240xf32, #tpu.memory_space<hbm>>)
        tpu.yield
      }) : () -> ()
    } else {
    }
    return
  }
}

module attributes {stable_mosaic.version = 14 : i64} {
  func.func @_selpool_body(%arg0: i32, %arg1: memref<2x80x128xf32, #tpu.memory_space<vmem>>, %arg2: memref<80x128xf32, #tpu.memory_space<vmem>>, %arg3: memref<80x128xf32, #tpu.memory_space<vmem>>, %arg4: memref<80x128xi32, #tpu.memory_space<vmem>>, %arg5: memref<1x1xf32, #tpu.memory_space<vmem>>, %arg6: memref<512x128xf32, #tpu.memory_space<vmem>>, %arg7: memref<80x128xf32, #tpu.memory_space<vmem>>, %arg8: memref<8x256xf32, #tpu.memory_space<vmem>>, %arg9: memref<80x128xf32, #tpu.memory_space<vmem>>, %arg10: memref<80x128xf32, #tpu.memory_space<vmem>>, %arg11: memref<8x128xf32, #tpu.memory_space<vmem>>, %arg12: memref<8x128xf32, #tpu.memory_space<vmem>>, %arg13: memref<8x128xf32, #tpu.memory_space<vmem>>) attributes {dimension_semantics = [#tpu.dimension_semantics<arbitrary>], iteration_bounds = array<i64: 20>, scalar_prefetch = 0 : i64, scratch_operands = 5 : i64, tpu.core_type = #tpu.core_type<tc>, window_params = [{pipeline_mode = #tpu.pipeline_mode<synchronous>, transform_indices = @transform_0, window_bounds = array<i64: 2, 80, 128>}, {pipeline_mode = #tpu.pipeline_mode<synchronous>, transform_indices = @transform_1, window_bounds = array<i64: 80, 128>}, {pipeline_mode = #tpu.pipeline_mode<synchronous>, transform_indices = @transform_2, window_bounds = array<i64: 80, 128>}, {pipeline_mode = #tpu.pipeline_mode<synchronous>, transform_indices = @transform_3, window_bounds = array<i64: 80, 128>}, {pipeline_mode = #tpu.pipeline_mode<synchronous>, transform_indices = @transform_4, window_bounds = array<i64: 1, 1>}, {transform_indices = @transform_5, window_bounds = array<i64: 512, 128>}, {pipeline_mode = #tpu.pipeline_mode<synchronous>, transform_indices = @transform_6, window_bounds = array<i64: 80, 128>}, {pipeline_mode = #tpu.pipeline_mode<synchronous>, transform_indices = @transform_7, window_bounds = array<i64: 8, 256>}]} {
    %iota3A = tpu.iota {dimensions = array<i32: 0>} : vector<128x128xi32>
    %iota3A_0 = tpu.iota {dimensions = array<i32: 1>} : vector<128x128xi32>
    %eq3A = arith.cmpi eq, %iota3A, %iota3A_0 : vector<128x128xi32>
    %jit3A = arith.constant 1.000000e+00 : f32
    %jit3A_1 = arith.constant 0.000000e+00 : f32
    %broadcast_in_dim3A = vector.broadcast %jit3A : f32 to vector<128x128xf32>
    %broadcast_in_dim3A_2 = vector.broadcast %jit3A_1 : f32 to vector<128x128xf32>
    %select_n3A = arith.select %eq3A, %broadcast_in_dim3A, %broadcast_in_dim3A_2 : vector<128x128xi1>, vector<128x128xf32>
    %broadcast_in_dim3A_3 = arith.constant 1.000000e+00 : f32
    %broadcast_in_dim3A_4 = vector.broadcast %broadcast_in_dim3A_3 : f32 to vector<128x1xf32>
    %eq3A_5 = arith.constant 0 : i32
    %eq3A_6 = arith.cmpi eq, %arg0, %eq3A_5 : i32
    %convert_element_type3A = arith.extui %eq3A_6 : i1 to i32
    %cond3A = arith.constant 0xFF800000 : f32
    %cond3A_7 = arith.constant 0 : i32
    %cond3A_8 = arith.cmpi ne, %convert_element_type3A, %cond3A_7 : i32
    scf.if %cond3A_8 {
      %get3A_183 = arith.constant 0 : index
      %get3A_184 = arith.constant 0 : index
      %get3A_185 = vector.load %arg2[%get3A_183, %get3A_184] : memref<80x128xf32, #tpu.memory_space<vmem>>, vector<80x128xf32>
      %get3A_186 = arith.constant 0 : index
      %get3A_187 = arith.constant 0 : index
      %get3A_188 = vector.load %arg3[%get3A_186, %get3A_187] : memref<80x128xf32, #tpu.memory_space<vmem>>, vector<80x128xf32>
      %get3A_189 = arith.constant 0 : index
      %get3A_190 = arith.constant 0 : index
      %get3A_191 = arith.constant 0 : index
      %get3A_192 = vector.load %arg1[%get3A_189, %get3A_190, %get3A_191] : memref<2x80x128xf32, #tpu.memory_space<vmem>>, vector<1x80x128xf32>
      %get3A_193 = vector.shape_cast %get3A_192 : vector<1x80x128xf32> to vector<80x128xf32>
      %get3A_194 = arith.constant 1 : index
      %get3A_195 = arith.constant 0 : index
      %get3A_196 = arith.constant 0 : index
      %get3A_197 = vector.load %arg1[%get3A_194, %get3A_195, %get3A_196] : memref<2x80x128xf32, #tpu.memory_space<vmem>>, vector<1x80x128xf32>
      %get3A_198 = vector.shape_cast %get3A_197 : vector<1x80x128xf32> to vector<80x128xf32>
      %add3A_199 = arith.addf %get3A_193, %get3A_198 : vector<80x128xf32>
      %add3A_200 = arith.addf %add3A_199, %get3A_185 : vector<80x128xf32>
      %mul3A_201 = arith.mulf %get3A_188, %add3A_200 : vector<80x128xf32>
      %get3A_202 = arith.constant 0 : index
      %get3A_203 = arith.constant 0 : index
      %get3A_204 = vector.load %arg5[%get3A_202, %get3A_203] : memref<1x1xf32, #tpu.memory_space<vmem>>, vector<1x1xf32>
      %get3A_205 = vector.extract %get3A_204[0, 0] : f32 from vector<1x1xf32>
      %add3A_206 = vector.broadcast %get3A_205 : f32 to vector<80x128xf32>
      %add3A_207 = arith.addf %mul3A_201, %add3A_206 : vector<80x128xf32>
      %swap3A = arith.constant 0 : index
      %swap3A_208 = arith.constant 0 : index
      %swap3A_209 = vector.load %arg7[%swap3A, %swap3A_208] : memref<80x128xf32, #tpu.memory_space<vmem>>, vector<80x128xf32>
      tpu.vector_store %arg7[%swap3A, %swap3A_208], %add3A_207 {strides = array<i32>} : memref<80x128xf32, #tpu.memory_space<vmem>>, vector<80x128xf32>,
      %get3A_210 = arith.constant 0 : index
      %get3A_211 = arith.constant 0 : index
      %get3A_212 = vector.load %arg4[%get3A_210, %get3A_211] : memref<80x128xi32, #tpu.memory_space<vmem>>, vector<80x128xi32>
      %bitcast_convert_type3A = tpu.bitcast %add3A_207 : vector<80x128xf32> -> vector<80x128xi32>
      %ge3A = arith.constant 0 : i32
      %ge3A_213 = vector.broadcast %ge3A : i32 to vector<80x128xi32>
      %ge3A_214 = arith.cmpi sge, %bitcast_convert_type3A, %ge3A_213 : vector<80x128xi32>
      %xor3A = arith.constant -2147483648 : i32
      %xor3A_215 = vector.broadcast %xor3A : i32 to vector<80x128xi32>
      %xor3A_216 = arith.xori %bitcast_convert_type3A, %xor3A_215 : vector<80x128xi32>
      %not3A = arith.constant dense<-1> : vector<80x128xi32>
      %not3A_217 = arith.xori %bitcast_convert_type3A, %not3A : vector<80x128xi32>
      %select_n3A_218 = arith.select %ge3A_214, %xor3A_216, %not3A_217 : vector<80x128xi1>, vector<80x128xi32>
      %xor3A_219 = arith.constant -2147483648 : i32
      %xor3A_220 = vector.broadcast %xor3A_219 : i32 to vector<80x128xi32>
      %xor3A_221 = arith.xori %select_n3A_218, %xor3A_220 : vector<80x128xi32>
      %tanh3A = math.tanh %add3A_207 : vector<80x128xf32>
      %eq3A_222 = arith.constant 0 : i32
      %eq3A_223 = vector.broadcast %eq3A_222 : i32 to vector<80x128xi32>
      %eq3A_224 = arith.cmpi eq, %get3A_212, %eq3A_223 : vector<80x128xi32>
      %eq3A_225 = arith.constant 1 : i32
      %eq3A_226 = vector.broadcast %eq3A_225 : i32 to vector<80x128xi32>
      %eq3A_227 = arith.cmpi eq, %get3A_212, %eq3A_226 : vector<80x128xi32>
      %eq3A_228 = arith.constant 2 : i32
      %eq3A_229 = vector.broadcast %eq3A_228 : i32 to vector<80x128xi32>
      %eq3A_230 = arith.cmpi eq, %get3A_212, %eq3A_229 : vector<80x128xi32>
      %eq3A_231 = arith.constant 3 : i32
      %eq3A_232 = vector.broadcast %eq3A_231 : i32 to vector<80x128xi32>
      %eq3A_233 = arith.cmpi eq, %get3A_212, %eq3A_232 : vector<80x128xi32>
      %eq3A_234 = arith.constant 4 : i32
      %eq3A_235 = vector.broadcast %eq3A_234 : i32 to vector<80x128xi32>
      %eq3A_236 = arith.cmpi eq, %get3A_212, %eq3A_235 : vector<80x128xi32>
      %eq3A_237 = arith.constant 5 : i32
      %eq3A_238 = vector.broadcast %eq3A_237 : i32 to vector<80x128xi32>
      %eq3A_239 = arith.cmpi eq, %get3A_212, %eq3A_238 : vector<80x128xi32>
      %eq3A_240 = arith.constant 6 : i32
      %eq3A_241 = vector.broadcast %eq3A_240 : i32 to vector<80x128xi32>
      %eq3A_242 = arith.cmpi eq, %get3A_212, %eq3A_241 : vector<80x128xi32>
      %eq3A_243 = arith.constant 7 : i32
      %eq3A_244 = vector.broadcast %eq3A_243 : i32 to vector<80x128xi32>
      %eq3A_245 = arith.cmpi eq, %get3A_212, %eq3A_244 : vector<80x128xi32>
      %lt3A = arith.constant 8 : i32
      %lt3A_246 = vector.broadcast %lt3A : i32 to vector<80x128xi32>
      %lt3A_247 = arith.cmpi slt, %get3A_212, %lt3A_246 : vector<80x128xi32>
      %jit3A_248 = arith.constant 1.000000e+00 : f32
      %jit3A_249 = arith.constant 0.000000e+00 : f32
      %broadcast_in_dim3A_250 = vector.broadcast %jit3A_248 : f32 to vector<80x128xf32>
      %broadcast_in_dim3A_251 = vector.broadcast %jit3A_249 : f32 to vector<80x128xf32>
      %select_n3A_252 = arith.select %eq3A_224, %broadcast_in_dim3A_250, %broadcast_in_dim3A_251 : vector<80x128xi1>, vector<80x128xf32>
      %reduce_sum3A = vector.shape_cast %select_n3A_252 : vector<80x128xf32> to vector<1x80x128xf32>
      %reduce_sum3A_253 = arith.constant dense<0.000000e+00> : vector<1xf32>
      %reduce_sum3A_254 = vector.multi_reduction <add>, %reduce_sum3A, %reduce_sum3A_253 [1, 2] : vector<1x80x128xf32> to vector<1xf32>
      %reduce_sum3A_255 = vector.shape_cast %reduce_sum3A_254 : vector<1xf32> to vector<1x1x1xf32>
      %reduce_sum3A_256 = vector.extract %reduce_sum3A_255[0, 0, 0] : f32 from vector<1x1x1xf32>
      %jit3A_257 = arith.constant 1.000000e+00 : f32
      %jit3A_258 = arith.constant 0.000000e+00 : f32
      %broadcast_in_dim3A_259 = vector.broadcast %jit3A_257 : f32 to vector<80x128xf32>
      %broadcast_in_dim3A_260 = vector.broadcast %jit3A_258 : f32 to vector<80x128xf32>
      %select_n3A_261 = arith.select %eq3A_227, %broadcast_in_dim3A_259, %broadcast_in_dim3A_260 : vector<80x128xi1>, vector<80x128xf32>
      %reduce_sum3A_262 = vector.shape_cast %select_n3A_261 : vector<80x128xf32> to vector<1x80x128xf32>
      %reduce_sum3A_263 = arith.constant dense<0.000000e+00> : vector<1xf32>
      %reduce_sum3A_264 = vector.multi_reduction <add>, %reduce_sum3A_262, %reduce_sum3A_263 [1, 2] : vector<1x80x128xf32> to vector<1xf32>
      %reduce_sum3A_265 = vector.shape_cast %reduce_sum3A_264 : vector<1xf32> to vector<1x1x1xf32>
      %reduce_sum3A_266 = vector.extract %reduce_sum3A_265[0, 0, 0] : f32 from vector<1x1x1xf32>
      %jit3A_267 = arith.constant 1.000000e+00 : f32
      %jit3A_268 = arith.constant 0.000000e+00 : f32
      %broadcast_in_dim3A_269 = vector.broadcast %jit3A_267 : f32 to vector<80x128xf32>
      %broadcast_in_dim3A_270 = vector.broadcast %jit3A_268 : f32 to vector<80x128xf32>
      %select_n3A_271 = arith.select %eq3A_230, %broadcast_in_dim3A_269, %broadcast_in_dim3A_270 : vector<80x128xi1>, vector<80x128xf32>
      %reduce_sum3A_272 = vector.shape_cast %select_n3A_271 : vector<80x128xf32> to vector<1x80x128xf32>
      %reduce_sum3A_273 = arith.constant dense<0.000000e+00> : vector<1xf32>
      %reduce_sum3A_274 = vector.multi_reduction <add>, %reduce_sum3A_272, %reduce_sum3A_273 [1, 2] : vector<1x80x128xf32> to vector<1xf32>
      %reduce_sum3A_275 = vector.shape_cast %reduce_sum3A_274 : vector<1xf32> to vector<1x1x1xf32>
      %reduce_sum3A_276 = vector.extract %reduce_sum3A_275[0, 0, 0] : f32 from vector<1x1x1xf32>
      %jit3A_277 = arith.constant 1.000000e+00 : f32
      %jit3A_278 = arith.constant 0.000000e+00 : f32
      %broadcast_in_dim3A_279 = vector.broadcast %jit3A_277 : f32 to vector<80x128xf32>
      %broadcast_in_dim3A_280 = vector.broadcast %jit3A_278 : f32 to vector<80x128xf32>
      %select_n3A_281 = arith.select %eq3A_233, %broadcast_in_dim3A_279, %broadcast_in_dim3A_280 : vector<80x128xi1>, vector<80x128xf32>
      %reduce_sum3A_282 = vector.shape_cast %select_n3A_281 : vector<80x128xf32> to vector<1x80x128xf32>
      %reduce_sum3A_283 = arith.constant dense<0.000000e+00> : vector<1xf32>
      %reduce_sum3A_284 = vector.multi_reduction <add>, %reduce_sum3A_282, %reduce_sum3A_283 [1, 2] : vector<1x80x128xf32> to vector<1xf32>
      %reduce_sum3A_285 = vector.shape_cast %reduce_sum3A_284 : vector<1xf32> to vector<1x1x1xf32>
      %reduce_sum3A_286 = vector.extract %reduce_sum3A_285[0, 0, 0] : f32 from vector<1x1x1xf32>
      %jit3A_287 = arith.constant 1.000000e+00 : f32
      %jit3A_288 = arith.constant 0.000000e+00 : f32
      %broadcast_in_dim3A_289 = vector.broadcast %jit3A_287 : f32 to vector<80x128xf32>
      %broadcast_in_dim3A_290 = vector.broadcast %jit3A_288 : f32 to vector<80x128xf32>
      %select_n3A_291 = arith.select %eq3A_236, %broadcast_in_dim3A_289, %broadcast_in_dim3A_290 : vector<80x128xi1>, vector<80x128xf32>
      %reduce_sum3A_292 = vector.shape_cast %select_n3A_291 : vector<80x128xf32> to vector<1x80x128xf32>
      %reduce_sum3A_293 = arith.constant dense<0.000000e+00> : vector<1xf32>
      %reduce_sum3A_294 = vector.multi_reduction <add>, %reduce_sum3A_292, %reduce_sum3A_293 [1, 2] : vector<1x80x128xf32> to vector<1xf32>
      %reduce_sum3A_295 = vector.shape_cast %reduce_sum3A_294 : vector<1xf32> to vector<1x1x1xf32>
      %reduce_sum3A_296 = vector.extract %reduce_sum3A_295[0, 0, 0] : f32 from vector<1x1x1xf32>
      %jit3A_297 = arith.constant 1.000000e+00 : f32
      %jit3A_298 = arith.constant 0.000000e+00 : f32
      %broadcast_in_dim3A_299 = vector.broadcast %jit3A_297 : f32 to vector<80x128xf32>
      %broadcast_in_dim3A_300 = vector.broadcast %jit3A_298 : f32 to vector<80x128xf32>
      %select_n3A_301 = arith.select %eq3A_239, %broadcast_in_dim3A_299, %broadcast_in_dim3A_300 : vector<80x128xi1>, vector<80x128xf32>
      %reduce_sum3A_302 = vector.shape_cast %select_n3A_301 : vector<80x128xf32> to vector<1x80x128xf32>
      %reduce_sum3A_303 = arith.constant dense<0.000000e+00> : vector<1xf32>
      %reduce_sum3A_304 = vector.multi_reduction <add>, %reduce_sum3A_302, %reduce_sum3A_303 [1, 2] : vector<1x80x128xf32> to vector<1xf32>
      %reduce_sum3A_305 = vector.shape_cast %reduce_sum3A_304 : vector<1xf32> to vector<1x1x1xf32>
      %reduce_sum3A_306 = vector.extract %reduce_sum3A_305[0, 0, 0] : f32 from vector<1x1x1xf32>
      %jit3A_307 = arith.constant 1.000000e+00 : f32
      %jit3A_308 = arith.constant 0.000000e+00 : f32
      %broadcast_in_dim3A_309 = vector.broadcast %jit3A_307 : f32 to vector<80x128xf32>
      %broadcast_in_dim3A_310 = vector.broadcast %jit3A_308 : f32 to vector<80x128xf32>
      %select_n3A_311 = arith.select %eq3A_242, %broadcast_in_dim3A_309, %broadcast_in_dim3A_310 : vector<80x128xi1>, vector<80x128xf32>
      %reduce_sum3A_312 = vector.shape_cast %select_n3A_311 : vector<80x128xf32> to vector<1x80x128xf32>
      %reduce_sum3A_313 = arith.constant dense<0.000000e+00> : vector<1xf32>
      %reduce_sum3A_314 = vector.multi_reduction <add>, %reduce_sum3A_312, %reduce_sum3A_313 [1, 2] : vector<1x80x128xf32> to vector<1xf32>
      %reduce_sum3A_315 = vector.shape_cast %reduce_sum3A_314 : vector<1xf32> to vector<1x1x1xf32>
      %reduce_sum3A_316 = vector.extract %reduce_sum3A_315[0, 0, 0] : f32 from vector<1x1x1xf32>
      %jit3A_317 = arith.constant 1.000000e+00 : f32
      %jit3A_318 = arith.constant 0.000000e+00 : f32
      %broadcast_in_dim3A_319 = vector.broadcast %jit3A_317 : f32 to vector<80x128xf32>
      %broadcast_in_dim3A_320 = vector.broadcast %jit3A_318 : f32 to vector<80x128xf32>
      %select_n3A_321 = arith.select %eq3A_245, %broadcast_in_dim3A_319, %broadcast_in_dim3A_320 : vector<80x128xi1>, vector<80x128xf32>
      %reduce_sum3A_322 = vector.shape_cast %select_n3A_321 : vector<80x128xf32> to vector<1x80x128xf32>
      %reduce_sum3A_323 = arith.constant dense<0.000000e+00> : vector<1xf32>
      %reduce_sum3A_324 = vector.multi_reduction <add>, %reduce_sum3A_322, %reduce_sum3A_323 [1, 2] : vector<1x80x128xf32> to vector<1xf32>
      %reduce_sum3A_325 = vector.shape_cast %reduce_sum3A_324 : vector<1xf32> to vector<1x1x1xf32>
      %reduce_sum3A_326 = vector.extract %reduce_sum3A_325[0, 0, 0] : f32 from vector<1x1x1xf32>
      %reshape3A = vector.broadcast %reduce_sum3A_256 : f32 to vector<1x1xf32>
      %reshape3A_327 = vector.broadcast %reduce_sum3A_266 : f32 to vector<1x1xf32>
      %reshape3A_328 = vector.broadcast %reduce_sum3A_276 : f32 to vector<1x1xf32>
      %reshape3A_329 = vector.broadcast %reduce_sum3A_286 : f32 to vector<1x1xf32>
      %reshape3A_330 = vector.broadcast %reduce_sum3A_296 : f32 to vector<1x1xf32>
      %reshape3A_331 = vector.broadcast %reduce_sum3A_306 : f32 to vector<1x1xf32>
      %reshape3A_332 = vector.broadcast %reduce_sum3A_316 : f32 to vector<1x1xf32>
      %reshape3A_333 = vector.broadcast %reduce_sum3A_326 : f32 to vector<1x1xf32>
      %concatenate3A_334 = tpu.concatenate %reshape3A, %reshape3A_327, %reshape3A_328, %reshape3A_329, %reshape3A_330, %reshape3A_331, %reshape3A_332, %reshape3A_333 in 1 : vector<1x1xf32>, vector<1x1xf32>, vector<1x1xf32>, vector<1x1xf32>, vector<1x1xf32>, vector<1x1xf32>, vector<1x1xf32>, vector<1x1xf32> -> vector<1x8xf32>
      %mul3A_335 = arith.constant 8.000000e-01 : f32
      %mul3A_336 = vector.broadcast %mul3A_335 : f32 to vector<1x8xf32>
      %mul3A_337 = arith.mulf %mul3A_336, %concatenate3A_334 : vector<1x8xf32>
      %ceil3A = math.ceil %mul3A_337 : vector<1x8xf32>
      %broadcast_in_dim3A_338 = arith.constant 0 : i32
      %broadcast_in_dim3A_339 = vector.broadcast %broadcast_in_dim3A_338 : i32 to vector<1x8xi32>
      %broadcast_in_dim3A_340 = arith.constant 0.000000e+00 : f32
      %broadcast_in_dim3A_341 = vector.broadcast %broadcast_in_dim3A_340 : f32 to vector<1x8xf32>
      %scan3A = arith.constant 0 : i32
      %scan3A_342 = arith.constant 32 : i32
      %scan3A_343 = arith.addi %scan3A, %scan3A_342 : i32
      %scan3A_344 = arith.constant 1 : i32
      %scan3A_345:2 = scf.for %scan3A_689 = %scan3A to %scan3A_343 step %scan3A_344 iter_args(%scan3A_690 = %broadcast_in_dim3A_339, %scan3A_691 = %broadcast_in_dim3A_341) -> (vector<1x8xi32>, vector<1x8xf32>)  : i32 {
        %sub3A_692 = arith.constant 31 : i32
        %sub3A_693 = arith.subi %sub3A_692, %scan3A_689 : i32
        %slice3A_694 = vector.extract_strided_slice %scan3A_690 {offsets = [0, 0], sizes = [1, 1], strides = [1, 1]} : vector<1x8xi32> to vector<1x1xi32>
        %squeeze3A_695 = vector.extract %slice3A_694[0, 0] : i32 from vector<1x1xi32>
        %jit3A_696 = arith.constant 0 : i32
        %broadcast_in_dim3A_697 = vector.broadcast %squeeze3A_695 : i32 to vector<80x128xi32>
        %broadcast_in_dim3A_698 = vector.broadcast %jit3A_696 : i32 to vector<80x128xi32>
        %select_n3A_699 = arith.select %eq3A_224, %broadcast_in_dim3A_697, %broadcast_in_dim3A_698 : vector<80x128xi1>, vector<80x128xi32>
        %slice3A_700 = vector.extract_strided_slice %scan3A_690 {offsets = [0, 1], sizes = [1, 1], strides = [1, 1]} : vector<1x8xi32> to vector<1x1xi32>
        %squeeze3A_701 = vector.extract %slice3A_700[0, 0] : i32 from vector<1x1xi32>
        %jit3A_702 = arith.constant 0 : i32
        %broadcast_in_dim3A_703 = vector.broadcast %squeeze3A_701 : i32 to vector<80x128xi32>
        %broadcast_in_dim3A_704 = vector.broadcast %jit3A_702 : i32 to vector<80x128xi32>
        %select_n3A_705 = arith.select %eq3A_227, %broadcast_in_dim3A_703, %broadcast_in_dim3A_704 : vector<80x128xi1>, vector<80x128xi32>
        %add3A_706 = arith.addi %select_n3A_699, %select_n3A_705 : vector<80x128xi32>
        %slice3A_707 = vector.extract_strided_slice %scan3A_690 {offsets = [0, 2], sizes = [1, 1], strides = [1, 1]} : vector<1x8xi32> to vector<1x1xi32>
        %squeeze3A_708 = vector.extract %slice3A_707[0, 0] : i32 from vector<1x1xi32>
        %jit3A_709 = arith.constant 0 : i32
        %broadcast_in_dim3A_710 = vector.broadcast %squeeze3A_708 : i32 to vector<80x128xi32>
        %broadcast_in_dim3A_711 = vector.broadcast %jit3A_709 : i32 to vector<80x128xi32>
        %select_n3A_712 = arith.select %eq3A_230, %broadcast_in_dim3A_710, %broadcast_in_dim3A_711 : vector<80x128xi1>, vector<80x128xi32>
        %add3A_713 = arith.addi %add3A_706, %select_n3A_712 : vector<80x128xi32>
        %slice3A_714 = vector.extract_strided_slice %scan3A_690 {offsets = [0, 3], sizes = [1, 1], strides = [1, 1]} : vector<1x8xi32> to vector<1x1xi32>
        %squeeze3A_715 = vector.extract %slice3A_714[0, 0] : i32 from vector<1x1xi32>
        %jit3A_716 = arith.constant 0 : i32
        %broadcast_in_dim3A_717 = vector.broadcast %squeeze3A_715 : i32 to vector<80x128xi32>
        %broadcast_in_dim3A_718 = vector.broadcast %jit3A_716 : i32 to vector<80x128xi32>
        %select_n3A_719 = arith.select %eq3A_233, %broadcast_in_dim3A_717, %broadcast_in_dim3A_718 : vector<80x128xi1>, vector<80x128xi32>
        %add3A_720 = arith.addi %add3A_713, %select_n3A_719 : vector<80x128xi32>
        %slice3A_721 = vector.extract_strided_slice %scan3A_690 {offsets = [0, 4], sizes = [1, 1], strides = [1, 1]} : vector<1x8xi32> to vector<1x1xi32>
        %squeeze3A_722 = vector.extract %slice3A_721[0, 0] : i32 from vector<1x1xi32>
        %jit3A_723 = arith.constant 0 : i32
        %broadcast_in_dim3A_724 = vector.broadcast %squeeze3A_722 : i32 to vector<80x128xi32>
        %broadcast_in_dim3A_725 = vector.broadcast %jit3A_723 : i32 to vector<80x128xi32>
        %select_n3A_726 = arith.select %eq3A_236, %broadcast_in_dim3A_724, %broadcast_in_dim3A_725 : vector<80x128xi1>, vector<80x128xi32>
        %add3A_727 = arith.addi %add3A_720, %select_n3A_726 : vector<80x128xi32>
        %slice3A_728 = vector.extract_strided_slice %scan3A_690 {offsets = [0, 5], sizes = [1, 1], strides = [1, 1]} : vector<1x8xi32> to vector<1x1xi32>
        %squeeze3A_729 = vector.extract %slice3A_728[0, 0] : i32 from vector<1x1xi32>
        %jit3A_730 = arith.constant 0 : i32
        %broadcast_in_dim3A_731 = vector.broadcast %squeeze3A_729 : i32 to vector<80x128xi32>
        %broadcast_in_dim3A_732 = vector.broadcast %jit3A_730 : i32 to vector<80x128xi32>
        %select_n3A_733 = arith.select %eq3A_239, %broadcast_in_dim3A_731, %broadcast_in_dim3A_732 : vector<80x128xi1>, vector<80x128xi32>
        %add3A_734 = arith.addi %add3A_727, %select_n3A_733 : vector<80x128xi32>
        %slice3A_735 = vector.extract_strided_slice %scan3A_690 {offsets = [0, 6], sizes = [1, 1], strides = [1, 1]} : vector<1x8xi32> to vector<1x1xi32>
        %squeeze3A_736 = vector.extract %slice3A_735[0, 0] : i32 from vector<1x1xi32>
        %jit3A_737 = arith.constant 0 : i32
        %broadcast_in_dim3A_738 = vector.broadcast %squeeze3A_736 : i32 to vector<80x128xi32>
        %broadcast_in_dim3A_739 = vector.broadcast %jit3A_737 : i32 to vector<80x128xi32>
        %select_n3A_740 = arith.select %eq3A_242, %broadcast_in_dim3A_738, %broadcast_in_dim3A_739 : vector<80x128xi1>, vector<80x128xi32>
        %add3A_741 = arith.addi %add3A_734, %select_n3A_740 : vector<80x128xi32>
        %slice3A_742 = vector.extract_strided_slice %scan3A_690 {offsets = [0, 7], sizes = [1, 1], strides = [1, 1]} : vector<1x8xi32> to vector<1x1xi32>
        %squeeze3A_743 = vector.extract %slice3A_742[0, 0] : i32 from vector<1x1xi32>
        %jit3A_744 = arith.constant 0 : i32
        %broadcast_in_dim3A_745 = vector.broadcast %squeeze3A_743 : i32 to vector<80x128xi32>
        %broadcast_in_dim3A_746 = vector.broadcast %jit3A_744 : i32 to vector<80x128xi32>
        %select_n3A_747 = arith.select %eq3A_245, %broadcast_in_dim3A_745, %broadcast_in_dim3A_746 : vector<80x128xi1>, vector<80x128xi32>
        %add3A_748 = arith.addi %add3A_741, %select_n3A_747 : vector<80x128xi32>
        %shift_right_logical3A = vector.broadcast %sub3A_693 : i32 to vector<80x128xi32>
        %shift_right_logical3A_749 = arith.shrui %select_n3A_218, %shift_right_logical3A : vector<80x128xi32>
        %shift_right_logical3A_750 = vector.broadcast %sub3A_693 : i32 to vector<80x128xi32>
        %shift_right_logical3A_751 = arith.shrui %add3A_748, %shift_right_logical3A_750 : vector<80x128xi32>
        %or3A_752 = arith.constant 1 : i32
        %or3A_753 = vector.broadcast %or3A_752 : i32 to vector<80x128xi32>
        %or3A_754 = arith.ori %shift_right_logical3A_751, %or3A_753 : vector<80x128xi32>
        %eq3A_755 = arith.cmpi eq, %shift_right_logical3A_749, %or3A_754 : vector<80x128xi32>
        %and3A_756 = arith.andi %eq3A_755, %eq3A_224 : vector<80x128xi1>
        %jit3A_757 = arith.constant 1.000000e+00 : f32
        %jit3A_758 = arith.constant 0.000000e+00 : f32
        %broadcast_in_dim3A_759 = vector.broadcast %jit3A_757 : f32 to vector<80x128xf32>
        %broadcast_in_dim3A_760 = vector.broadcast %jit3A_758 : f32 to vector<80x128xf32>
        %select_n3A_761 = arith.select %and3A_756, %broadcast_in_dim3A_759, %broadcast_in_dim3A_760 : vector<80x128xi1>, vector<80x128xf32>
        %reduce_sum3A_762 = vector.shape_cast %select_n3A_761 : vector<80x128xf32> to vector<1x80x128xf32>
        %reduce_sum3A_763 = arith.constant dense<0.000000e+00> : vector<1xf32>
        %reduce_sum3A_764 = vector.multi_reduction <add>, %reduce_sum3A_762, %reduce_sum3A_763 [1, 2] : vector<1x80x128xf32> to vector<1xf32>
        %reduce_sum3A_765 = vector.shape_cast %reduce_sum3A_764 : vector<1xf32> to vector<1x1x1xf32>
        %reduce_sum3A_766 = vector.extract %reduce_sum3A_765[0, 0, 0] : f32 from vector<1x1x1xf32>
        %and3A_767 = arith.andi %eq3A_755, %eq3A_227 : vector<80x128xi1>
        %jit3A_768 = arith.constant 1.000000e+00 : f32
        %jit3A_769 = arith.constant 0.000000e+00 : f32
        %broadcast_in_dim3A_770 = vector.broadcast %jit3A_768 : f32 to vector<80x128xf32>
        %broadcast_in_dim3A_771 = vector.broadcast %jit3A_769 : f32 to vector<80x128xf32>
        %select_n3A_772 = arith.select %and3A_767, %broadcast_in_dim3A_770, %broadcast_in_dim3A_771 : vector<80x128xi1>, vector<80x128xf32>
        %reduce_sum3A_773 = vector.shape_cast %select_n3A_772 : vector<80x128xf32> to vector<1x80x128xf32>
        %reduce_sum3A_774 = arith.constant dense<0.000000e+00> : vector<1xf32>
        %reduce_sum3A_775 = vector.multi_reduction <add>, %reduce_sum3A_773, %reduce_sum3A_774 [1, 2] : vector<1x80x128xf32> to vector<1xf32>
        %reduce_sum3A_776 = vector.shape_cast %reduce_sum3A_775 : vector<1xf32> to vector<1x1x1xf32>
        %reduce_sum3A_777 = vector.extract %reduce_sum3A_776[0, 0, 0] : f32 from vector<1x1x1xf32>
        %and3A_778 = arith.andi %eq3A_755, %eq3A_230 : vector<80x128xi1>
        %jit3A_779 = arith.constant 1.000000e+00 : f32
        %jit3A_780 = arith.constant 0.000000e+00 : f32
        %broadcast_in_dim3A_781 = vector.broadcast %jit3A_779 : f32 to vector<80x128xf32>
        %broadcast_in_dim3A_782 = vector.broadcast %jit3A_780 : f32 to vector<80x128xf32>
        %select_n3A_783 = arith.select %and3A_778, %broadcast_in_dim3A_781, %broadcast_in_dim3A_782 : vector<80x128xi1>, vector<80x128xf32>
        %reduce_sum3A_784 = vector.shape_cast %select_n3A_783 : vector<80x128xf32> to vector<1x80x128xf32>
        %reduce_sum3A_785 = arith.constant dense<0.000000e+00> : vector<1xf32>
        %reduce_sum3A_786 = vector.multi_reduction <add>, %reduce_sum3A_784, %reduce_sum3A_785 [1, 2] : vector<1x80x128xf32> to vector<1xf32>
        %reduce_sum3A_787 = vector.shape_cast %reduce_sum3A_786 : vector<1xf32> to vector<1x1x1xf32>
        %reduce_sum3A_788 = vector.extract %reduce_sum3A_787[0, 0, 0] : f32 from vector<1x1x1xf32>
        %and3A_789 = arith.andi %eq3A_755, %eq3A_233 : vector<80x128xi1>
        %jit3A_790 = arith.constant 1.000000e+00 : f32
        %jit3A_791 = arith.constant 0.000000e+00 : f32
        %broadcast_in_dim3A_792 = vector.broadcast %jit3A_790 : f32 to vector<80x128xf32>
        %broadcast_in_dim3A_793 = vector.broadcast %jit3A_791 : f32 to vector<80x128xf32>
        %select_n3A_794 = arith.select %and3A_789, %broadcast_in_dim3A_792, %broadcast_in_dim3A_793 : vector<80x128xi1>, vector<80x128xf32>
        %reduce_sum3A_795 = vector.shape_cast %select_n3A_794 : vector<80x128xf32> to vector<1x80x128xf32>
        %reduce_sum3A_796 = arith.constant dense<0.000000e+00> : vector<1xf32>
        %reduce_sum3A_797 = vector.multi_reduction <add>, %reduce_sum3A_795, %reduce_sum3A_796 [1, 2] : vector<1x80x128xf32> to vector<1xf32>
        %reduce_sum3A_798 = vector.shape_cast %reduce_sum3A_797 : vector<1xf32> to vector<1x1x1xf32>
        %reduce_sum3A_799 = vector.extract %reduce_sum3A_798[0, 0, 0] : f32 from vector<1x1x1xf32>
        %and3A_800 = arith.andi %eq3A_755, %eq3A_236 : vector<80x128xi1>
        %jit3A_801 = arith.constant 1.000000e+00 : f32
        %jit3A_802 = arith.constant 0.000000e+00 : f32
        %broadcast_in_dim3A_803 = vector.broadcast %jit3A_801 : f32 to vector<80x128xf32>
        %broadcast_in_dim3A_804 = vector.broadcast %jit3A_802 : f32 to vector<80x128xf32>
        %select_n3A_805 = arith.select %and3A_800, %broadcast_in_dim3A_803, %broadcast_in_dim3A_804 : vector<80x128xi1>, vector<80x128xf32>
        %reduce_sum3A_806 = vector.shape_cast %select_n3A_805 : vector<80x128xf32> to vector<1x80x128xf32>
        %reduce_sum3A_807 = arith.constant dense<0.000000e+00> : vector<1xf32>
        %reduce_sum3A_808 = vector.multi_reduction <add>, %reduce_sum3A_806, %reduce_sum3A_807 [1, 2] : vector<1x80x128xf32> to vector<1xf32>
        %reduce_sum3A_809 = vector.shape_cast %reduce_sum3A_808 : vector<1xf32> to vector<1x1x1xf32>
        %reduce_sum3A_810 = vector.extract %reduce_sum3A_809[0, 0, 0] : f32 from vector<1x1x1xf32>
        %and3A_811 = arith.andi %eq3A_755, %eq3A_239 : vector<80x128xi1>
        %jit3A_812 = arith.constant 1.000000e+00 : f32
        %jit3A_813 = arith.constant 0.000000e+00 : f32
        %broadcast_in_dim3A_814 = vector.broadcast %jit3A_812 : f32 to vector<80x128xf32>
        %broadcast_in_dim3A_815 = vector.broadcast %jit3A_813 : f32 to vector<80x128xf32>
        %select_n3A_816 = arith.select %and3A_811, %broadcast_in_dim3A_814, %broadcast_in_dim3A_815 : vector<80x128xi1>, vector<80x128xf32>
        %reduce_sum3A_817 = vector.shape_cast %select_n3A_816 : vector<80x128xf32> to vector<1x80x128xf32>
        %reduce_sum3A_818 = arith.constant dense<0.000000e+00> : vector<1xf32>
        %reduce_sum3A_819 = vector.multi_reduction <add>, %reduce_sum3A_817, %reduce_sum3A_818 [1, 2] : vector<1x80x128xf32> to vector<1xf32>
        %reduce_sum3A_820 = vector.shape_cast %reduce_sum3A_819 : vector<1xf32> to vector<1x1x1xf32>
        %reduce_sum3A_821 = vector.extract %reduce_sum3A_820[0, 0, 0] : f32 from vector<1x1x1xf32>
        %and3A_822 = arith.andi %eq3A_755, %eq3A_242 : vector<80x128xi1>
        %jit3A_823 = arith.constant 1.000000e+00 : f32
        %jit3A_824 = arith.constant 0.000000e+00 : f32
        %broadcast_in_dim3A_825 = vector.broadcast %jit3A_823 : f32 to vector<80x128xf32>
        %broadcast_in_dim3A_826 = vector.broadcast %jit3A_824 : f32 to vector<80x128xf32>
        %select_n3A_827 = arith.select %and3A_822, %broadcast_in_dim3A_825, %broadcast_in_dim3A_826 : vector<80x128xi1>, vector<80x128xf32>
        %reduce_sum3A_828 = vector.shape_cast %select_n3A_827 : vector<80x128xf32> to vector<1x80x128xf32>
        %reduce_sum3A_829 = arith.constant dense<0.000000e+00> : vector<1xf32>
        %reduce_sum3A_830 = vector.multi_reduction <add>, %reduce_sum3A_828, %reduce_sum3A_829 [1, 2] : vector<1x80x128xf32> to vector<1xf32>
        %reduce_sum3A_831 = vector.shape_cast %reduce_sum3A_830 : vector<1xf32> to vector<1x1x1xf32>
        %reduce_sum3A_832 = vector.extract %reduce_sum3A_831[0, 0, 0] : f32 from vector<1x1x1xf32>
        %and3A_833 = arith.andi %eq3A_755, %eq3A_245 : vector<80x128xi1>
        %jit3A_834 = arith.constant 1.000000e+00 : f32
        %jit3A_835 = arith.constant 0.000000e+00 : f32
        %broadcast_in_dim3A_836 = vector.broadcast %jit3A_834 : f32 to vector<80x128xf32>
        %broadcast_in_dim3A_837 = vector.broadcast %jit3A_835 : f32 to vector<80x128xf32>
        %select_n3A_838 = arith.select %and3A_833, %broadcast_in_dim3A_836, %broadcast_in_dim3A_837 : vector<80x128xi1>, vector<80x128xf32>
        %reduce_sum3A_839 = vector.shape_cast %select_n3A_838 : vector<80x128xf32> to vector<1x80x128xf32>
        %reduce_sum3A_840 = arith.constant dense<0.000000e+00> : vector<1xf32>
        %reduce_sum3A_841 = vector.multi_reduction <add>, %reduce_sum3A_839, %reduce_sum3A_840 [1, 2] : vector<1x80x128xf32> to vector<1xf32>
        %reduce_sum3A_842 = vector.shape_cast %reduce_sum3A_841 : vector<1xf32> to vector<1x1x1xf32>
        %reduce_sum3A_843 = vector.extract %reduce_sum3A_842[0, 0, 0] : f32 from vector<1x1x1xf32>
        %reshape3A_844 = vector.broadcast %reduce_sum3A_766 : f32 to vector<1x1xf32>
        %reshape3A_845 = vector.broadcast %reduce_sum3A_777 : f32 to vector<1x1xf32>
        %reshape3A_846 = vector.broadcast %reduce_sum3A_788 : f32 to vector<1x1xf32>
        %reshape3A_847 = vector.broadcast %reduce_sum3A_799 : f32 to vector<1x1xf32>
        %reshape3A_848 = vector.broadcast %reduce_sum3A_810 : f32 to vector<1x1xf32>
        %reshape3A_849 = vector.broadcast %reduce_sum3A_821 : f32 to vector<1x1xf32>
        %reshape3A_850 = vector.broadcast %reduce_sum3A_832 : f32 to vector<1x1xf32>
        %reshape3A_851 = vector.broadcast %reduce_sum3A_843 : f32 to vector<1x1xf32>
        %concatenate3A_852 = tpu.concatenate %reshape3A_844, %reshape3A_845, %reshape3A_846, %reshape3A_847, %reshape3A_848, %reshape3A_849, %reshape3A_850, %reshape3A_851 in 1 : vector<1x1xf32>, vector<1x1xf32>, vector<1x1xf32>, vector<1x1xf32>, vector<1x1xf32>, vector<1x1xf32>, vector<1x1xf32>, vector<1x1xf32> -> vector<1x8xf32>
        %add3A_853 = arith.addf %scan3A_691, %concatenate3A_852 : vector<1x8xf32>
        %ge3A_854 = arith.cmpf oge, %add3A_853, %ceil3A : vector<1x8xf32>
        %shift_left3A = arith.constant 1 : i32
        %shift_left3A_855 = arith.shli %shift_left3A, %sub3A_693 : i32
        %or3A_856 = vector.broadcast %shift_left3A_855 : i32 to vector<1x8xi32>
        %or3A_857 = arith.ori %scan3A_690, %or3A_856 : vector<1x8xi32>
        %select_n3A_858 = arith.select %ge3A_854, %or3A_857, %scan3A_690 : vector<1x8xi1>, vector<1x8xi32>
        %add3A_859 = arith.addf %scan3A_691, %concatenate3A_852 : vector<1x8xf32>
        %select_n3A_860 = arith.select %ge3A_854, %scan3A_691, %add3A_859 : vector<1x8xi1>, vector<1x8xf32>
        scf.yield %select_n3A_858, %select_n3A_860 : vector<1x8xi32>, vector<1x8xf32>
      }
      %scan3A_346 = arith.constant 32 : i32
      %sub3A = arith.subf %ceil3A, %scan3A_345#1 : vector<1x8xf32>
      %slice3A_347 = vector.extract_strided_slice %scan3A_345#0 {offsets = [0, 0], sizes = [1, 1], strides = [1, 1]} : vector<1x8xi32> to vector<1x1xi32>
      %squeeze3A = vector.extract %slice3A_347[0, 0] : i32 from vector<1x1xi32>
      %jit3A_348 = arith.constant 0 : i32
      %broadcast_in_dim3A_349 = vector.broadcast %squeeze3A : i32 to vector<80x128xi32>
      %broadcast_in_dim3A_350 = vector.broadcast %jit3A_348 : i32 to vector<80x128xi32>
      %select_n3A_351 = arith.select %eq3A_224, %broadcast_in_dim3A_349, %broadcast_in_dim3A_350 : vector<80x128xi1>, vector<80x128xi32>
      %slice3A_352 = vector.extract_strided_slice %scan3A_345#0 {offsets = [0, 1], sizes = [1, 1], strides = [1, 1]} : vector<1x8xi32> to vector<1x1xi32>
      %squeeze3A_353 = vector.extract %slice3A_352[0, 0] : i32 from vector<1x1xi32>
      %jit3A_354 = arith.constant 0 : i32
      %broadcast_in_dim3A_355 = vector.broadcast %squeeze3A_353 : i32 to vector<80x128xi32>
      %broadcast_in_dim3A_356 = vector.broadcast %jit3A_354 : i32 to vector<80x128xi32>
      %select_n3A_357 = arith.select %eq3A_227, %broadcast_in_dim3A_355, %broadcast_in_dim3A_356 : vector<80x128xi1>, vector<80x128xi32>
      %add3A_358 = arith.addi %select_n3A_351, %select_n3A_357 : vector<80x128xi32>
      %slice3A_359 = vector.extract_strided_slice %scan3A_345#0 {offsets = [0, 2], sizes = [1, 1], strides = [1, 1]} : vector<1x8xi32> to vector<1x1xi32>
      %squeeze3A_360 = vector.extract %slice3A_359[0, 0] : i32 from vector<1x1xi32>
      %jit3A_361 = arith.constant 0 : i32
      %broadcast_in_dim3A_362 = vector.broadcast %squeeze3A_360 : i32 to vector<80x128xi32>
      %broadcast_in_dim3A_363 = vector.broadcast %jit3A_361 : i32 to vector<80x128xi32>
      %select_n3A_364 = arith.select %eq3A_230, %broadcast_in_dim3A_362, %broadcast_in_dim3A_363 : vector<80x128xi1>, vector<80x128xi32>
      %add3A_365 = arith.addi %add3A_358, %select_n3A_364 : vector<80x128xi32>
      %slice3A_366 = vector.extract_strided_slice %scan3A_345#0 {offsets = [0, 3], sizes = [1, 1], strides = [1, 1]} : vector<1x8xi32> to vector<1x1xi32>
      %squeeze3A_367 = vector.extract %slice3A_366[0, 0] : i32 from vector<1x1xi32>
      %jit3A_368 = arith.constant 0 : i32
      %broadcast_in_dim3A_369 = vector.broadcast %squeeze3A_367 : i32 to vector<80x128xi32>
      %broadcast_in_dim3A_370 = vector.broadcast %jit3A_368 : i32 to vector<80x128xi32>
      %select_n3A_371 = arith.select %eq3A_233, %broadcast_in_dim3A_369, %broadcast_in_dim3A_370 : vector<80x128xi1>, vector<80x128xi32>
      %add3A_372 = arith.addi %add3A_365, %select_n3A_371 : vector<80x128xi32>
      %slice3A_373 = vector.extract_strided_slice %scan3A_345#0 {offsets = [0, 4], sizes = [1, 1], strides = [1, 1]} : vector<1x8xi32> to vector<1x1xi32>
      %squeeze3A_374 = vector.extract %slice3A_373[0, 0] : i32 from vector<1x1xi32>
      %jit3A_375 = arith.constant 0 : i32
      %broadcast_in_dim3A_376 = vector.broadcast %squeeze3A_374 : i32 to vector<80x128xi32>
      %broadcast_in_dim3A_377 = vector.broadcast %jit3A_375 : i32 to vector<80x128xi32>
      %select_n3A_378 = arith.select %eq3A_236, %broadcast_in_dim3A_376, %broadcast_in_dim3A_377 : vector<80x128xi1>, vector<80x128xi32>
      %add3A_379 = arith.addi %add3A_372, %select_n3A_378 : vector<80x128xi32>
      %slice3A_380 = vector.extract_strided_slice %scan3A_345#0 {offsets = [0, 5], sizes = [1, 1], strides = [1, 1]} : vector<1x8xi32> to vector<1x1xi32>
      %squeeze3A_381 = vector.extract %slice3A_380[0, 0] : i32 from vector<1x1xi32>
      %jit3A_382 = arith.constant 0 : i32
      %broadcast_in_dim3A_383 = vector.broadcast %squeeze3A_381 : i32 to vector<80x128xi32>
      %broadcast_in_dim3A_384 = vector.broadcast %jit3A_382 : i32 to vector<80x128xi32>
      %select_n3A_385 = arith.select %eq3A_239, %broadcast_in_dim3A_383, %broadcast_in_dim3A_384 : vector<80x128xi1>, vector<80x128xi32>
      %add3A_386 = arith.addi %add3A_379, %select_n3A_385 : vector<80x128xi32>
      %slice3A_387 = vector.extract_strided_slice %scan3A_345#0 {offsets = [0, 6], sizes = [1, 1], strides = [1, 1]} : vector<1x8xi32> to vector<1x1xi32>
      %squeeze3A_388 = vector.extract %slice3A_387[0, 0] : i32 from vector<1x1xi32>
      %jit3A_389 = arith.constant 0 : i32
      %broadcast_in_dim3A_390 = vector.broadcast %squeeze3A_388 : i32 to vector<80x128xi32>
      %broadcast_in_dim3A_391 = vector.broadcast %jit3A_389 : i32 to vector<80x128xi32>
      %select_n3A_392 = arith.select %eq3A_242, %broadcast_in_dim3A_390, %broadcast_in_dim3A_391 : vector<80x128xi1>, vector<80x128xi32>
      %add3A_393 = arith.addi %add3A_386, %select_n3A_392 : vector<80x128xi32>
      %slice3A_394 = vector.extract_strided_slice %scan3A_345#0 {offsets = [0, 7], sizes = [1, 1], strides = [1, 1]} : vector<1x8xi32> to vector<1x1xi32>
      %squeeze3A_395 = vector.extract %slice3A_394[0, 0] : i32 from vector<1x1xi32>
      %jit3A_396 = arith.constant 0 : i32
      %broadcast_in_dim3A_397 = vector.broadcast %squeeze3A_395 : i32 to vector<80x128xi32>
      %broadcast_in_dim3A_398 = vector.broadcast %jit3A_396 : i32 to vector<80x128xi32>
      %select_n3A_399 = arith.select %eq3A_245, %broadcast_in_dim3A_397, %broadcast_in_dim3A_398 : vector<80x128xi1>, vector<80x128xi32>
      %add3A_400 = arith.addi %add3A_393, %select_n3A_399 : vector<80x128xi32>
      %slice3A_401 = vector.extract_strided_slice %sub3A {offsets = [0, 0], sizes = [1, 1], strides = [1, 1]} : vector<1x8xf32> to vector<1x1xf32>
      %squeeze3A_402 = vector.extract %slice3A_401[0, 0] : f32 from vector<1x1xf32>
      %jit3A_403 = arith.constant 0.000000e+00 : f32
      %broadcast_in_dim3A_404 = vector.broadcast %squeeze3A_402 : f32 to vector<80x128xf32>
      %broadcast_in_dim3A_405 = vector.broadcast %jit3A_403 : f32 to vector<80x128xf32>
      %select_n3A_406 = arith.select %eq3A_224, %broadcast_in_dim3A_404, %broadcast_in_dim3A_405 : vector<80x128xi1>, vector<80x128xf32>
      %slice3A_407 = vector.extract_strided_slice %sub3A {offsets = [0, 1], sizes = [1, 1], strides = [1, 1]} : vector<1x8xf32> to vector<1x1xf32>
      %squeeze3A_408 = vector.extract %slice3A_407[0, 0] : f32 from vector<1x1xf32>
      %jit3A_409 = arith.constant 0.000000e+00 : f32
      %broadcast_in_dim3A_410 = vector.broadcast %squeeze3A_408 : f32 to vector<80x128xf32>
      %broadcast_in_dim3A_411 = vector.broadcast %jit3A_409 : f32 to vector<80x128xf32>
      %select_n3A_412 = arith.select %eq3A_227, %broadcast_in_dim3A_410, %broadcast_in_dim3A_411 : vector<80x128xi1>, vector<80x128xf32>
      %add3A_413 = arith.addf %select_n3A_406, %select_n3A_412 : vector<80x128xf32>
      %slice3A_414 = vector.extract_strided_slice %sub3A {offsets = [0, 2], sizes = [1, 1], strides = [1, 1]} : vector<1x8xf32> to vector<1x1xf32>
      %squeeze3A_415 = vector.extract %slice3A_414[0, 0] : f32 from vector<1x1xf32>
      %jit3A_416 = arith.constant 0.000000e+00 : f32
      %broadcast_in_dim3A_417 = vector.broadcast %squeeze3A_415 : f32 to vector<80x128xf32>
      %broadcast_in_dim3A_418 = vector.broadcast %jit3A_416 : f32 to vector<80x128xf32>
      %select_n3A_419 = arith.select %eq3A_230, %broadcast_in_dim3A_417, %broadcast_in_dim3A_418 : vector<80x128xi1>, vector<80x128xf32>
      %add3A_420 = arith.addf %add3A_413, %select_n3A_419 : vector<80x128xf32>
      %slice3A_421 = vector.extract_strided_slice %sub3A {offsets = [0, 3], sizes = [1, 1], strides = [1, 1]} : vector<1x8xf32> to vector<1x1xf32>
      %squeeze3A_422 = vector.extract %slice3A_421[0, 0] : f32 from vector<1x1xf32>
      %jit3A_423 = arith.constant 0.000000e+00 : f32
      %broadcast_in_dim3A_424 = vector.broadcast %squeeze3A_422 : f32 to vector<80x128xf32>
      %broadcast_in_dim3A_425 = vector.broadcast %jit3A_423 : f32 to vector<80x128xf32>
      %select_n3A_426 = arith.select %eq3A_233, %broadcast_in_dim3A_424, %broadcast_in_dim3A_425 : vector<80x128xi1>, vector<80x128xf32>
      %add3A_427 = arith.addf %add3A_420, %select_n3A_426 : vector<80x128xf32>
      %slice3A_428 = vector.extract_strided_slice %sub3A {offsets = [0, 4], sizes = [1, 1], strides = [1, 1]} : vector<1x8xf32> to vector<1x1xf32>
      %squeeze3A_429 = vector.extract %slice3A_428[0, 0] : f32 from vector<1x1xf32>
      %jit3A_430 = arith.constant 0.000000e+00 : f32
      %broadcast_in_dim3A_431 = vector.broadcast %squeeze3A_429 : f32 to vector<80x128xf32>
      %broadcast_in_dim3A_432 = vector.broadcast %jit3A_430 : f32 to vector<80x128xf32>
      %select_n3A_433 = arith.select %eq3A_236, %broadcast_in_dim3A_431, %broadcast_in_dim3A_432 : vector<80x128xi1>, vector<80x128xf32>
      %add3A_434 = arith.addf %add3A_427, %select_n3A_433 : vector<80x128xf32>
      %slice3A_435 = vector.extract_strided_slice %sub3A {offsets = [0, 5], sizes = [1, 1], strides = [1, 1]} : vector<1x8xf32> to vector<1x1xf32>
      %squeeze3A_436 = vector.extract %slice3A_435[0, 0] : f32 from vector<1x1xf32>
      %jit3A_437 = arith.constant 0.000000e+00 : f32
      %broadcast_in_dim3A_438 = vector.broadcast %squeeze3A_436 : f32 to vector<80x128xf32>
      %broadcast_in_dim3A_439 = vector.broadcast %jit3A_437 : f32 to vector<80x128xf32>
      %select_n3A_440 = arith.select %eq3A_239, %broadcast_in_dim3A_438, %broadcast_in_dim3A_439 : vector<80x128xi1>, vector<80x128xf32>
      %add3A_441 = arith.addf %add3A_434, %select_n3A_440 : vector<80x128xf32>
      %slice3A_442 = vector.extract_strided_slice %sub3A {offsets = [0, 6], sizes = [1, 1], strides = [1, 1]} : vector<1x8xf32> to vector<1x1xf32>
      %squeeze3A_443 = vector.extract %slice3A_442[0, 0] : f32 from vector<1x1xf32>
      %jit3A_444 = arith.constant 0.000000e+00 : f32
      %broadcast_in_dim3A_445 = vector.broadcast %squeeze3A_443 : f32 to vector<80x128xf32>
      %broadcast_in_dim3A_446 = vector.broadcast %jit3A_444 : f32 to vector<80x128xf32>
      %select_n3A_447 = arith.select %eq3A_242, %broadcast_in_dim3A_445, %broadcast_in_dim3A_446 : vector<80x128xi1>, vector<80x128xf32>
      %add3A_448 = arith.addf %add3A_441, %select_n3A_447 : vector<80x128xf32>
      %slice3A_449 = vector.extract_strided_slice %sub3A {offsets = [0, 7], sizes = [1, 1], strides = [1, 1]} : vector<1x8xf32> to vector<1x1xf32>
      %squeeze3A_450 = vector.extract %slice3A_449[0, 0] : f32 from vector<1x1xf32>
      %jit3A_451 = arith.constant 0.000000e+00 : f32
      %broadcast_in_dim3A_452 = vector.broadcast %squeeze3A_450 : f32 to vector<80x128xf32>
      %broadcast_in_dim3A_453 = vector.broadcast %jit3A_451 : f32 to vector<80x128xf32>
      %select_n3A_454 = arith.select %eq3A_245, %broadcast_in_dim3A_452, %broadcast_in_dim3A_453 : vector<80x128xi1>, vector<80x128xf32>
      %add3A_455 = arith.addf %add3A_448, %select_n3A_454 : vector<80x128xf32>
      %xor3A_456 = arith.constant -2147483648 : i32
      %xor3A_457 = vector.broadcast %xor3A_456 : i32 to vector<80x128xi32>
      %xor3A_458 = arith.xori %add3A_400, %xor3A_457 : vector<80x128xi32>
      %gt3A_459 = arith.cmpi sgt, %xor3A_221, %xor3A_458 : vector<80x128xi32>
      %and3A = arith.andi %gt3A_459, %lt3A_247 : vector<80x128xi1>
      %eq3A_460 = arith.cmpi eq, %select_n3A_218, %add3A_400 : vector<80x128xi32>
      %and3A_461 = arith.andi %eq3A_460, %lt3A_247 : vector<80x128xi1>
      %jit3A_462 = arith.constant 1.000000e+00 : f32
      %jit3A_463 = arith.constant 0.000000e+00 : f32
      %broadcast_in_dim3A_464 = vector.broadcast %jit3A_462 : f32 to vector<80x128xf32>
      %broadcast_in_dim3A_465 = vector.broadcast %jit3A_463 : f32 to vector<80x128xf32>
      %select_n3A_466 = arith.select %and3A_461, %broadcast_in_dim3A_464, %broadcast_in_dim3A_465 : vector<80x128xi1>, vector<80x128xf32>
      %le3A = arith.cmpi sle, %iota3A, %iota3A_0 : vector<128x128xi32>
      %convert_element_type3A_467 = arith.extui %le3A : vector<128x128xi1> to vector<128x128xi32>
      %convert_element_type3A_468 = arith.sitofp %convert_element_type3A_467 : vector<128x128xi32> to vector<128x128xf32>
      %iota3A_469 = tpu.iota {dimensions = array<i32: 0>} : vector<80x80xi32>
      %iota3A_470 = tpu.iota {dimensions = array<i32: 1>} : vector<80x80xi32>
      %lt3A_471 = arith.cmpi slt, %iota3A_470, %iota3A_469 : vector<80x80xi32>
      %convert_element_type3A_472 = arith.extui %lt3A_471 : vector<80x80xi1> to vector<80x80xi32>
      %convert_element_type3A_473 = arith.sitofp %convert_element_type3A_472 : vector<80x80xi32> to vector<80x80xf32>
      %dot_general3A_474 = arith.constant dense<0.000000e+00> : vector<80x128xf32>
      %dot_general3A_475 = tpu.matmul %select_n3A_466, %convert_element_type3A_468, %dot_general3A_474 {dimension_numbers = #tpu.dot_dimension_numbers<[1], [0], [0], [1], [0, 0, 1, 1], [], []>, transpose_lhs_hint = false} : vector<80x128xf32>, vector<128x128xf32>, vector<80x128xf32> -> vector<80x128xf32>
      %slice3A_476 = vector.extract_strided_slice %dot_general3A_475 {offsets = [0, 127], sizes = [80, 1], strides = [1, 1]} : vector<80x128xf32> to vector<80x1xf32>
      %dot_general3A_477 = arith.constant dense<0.000000e+00> : vector<80x1xf32>
      %dot_general3A_478 = tpu.matmul %convert_element_type3A_473, %slice3A_476, %dot_general3A_477 {dimension_numbers = #tpu.dot_dimension_numbers<[1], [0], [0], [1], [0, 0, 1, 1], [], []>, transpose_lhs_hint = false} : vector<80x80xf32>, vector<80x1xf32>, vector<80x1xf32> -> vector<80x1xf32>
      %add3A_479 = vector.broadcast %dot_general3A_478 : vector<80x1xf32> to vector<80x128xf32>
      %add3A_480 = arith.addf %add3A_479, %dot_general3A_475 : vector<80x128xf32>
      %sub3A_481 = arith.subf %add3A_480, %select_n3A_466 : vector<80x128xf32>
      %lt3A_482 = arith.constant 0 : i32
      %lt3A_483 = vector.broadcast %lt3A_482 : i32 to vector<80x128xi32>
      %lt3A_484 = arith.cmpi slt, %get3A_212, %lt3A_483 : vector<80x128xi32>
      %and3A_485 = arith.andi %and3A_461, %lt3A_484 : vector<80x128xi1>
      %jit3A_486 = arith.constant 1.000000e+00 : f32
      %jit3A_487 = arith.constant 0.000000e+00 : f32
      %broadcast_in_dim3A_488 = vector.broadcast %jit3A_486 : f32 to vector<80x128xf32>
      %broadcast_in_dim3A_489 = vector.broadcast %jit3A_487 : f32 to vector<80x128xf32>
      %select_n3A_490 = arith.select %and3A_485, %broadcast_in_dim3A_488, %broadcast_in_dim3A_489 : vector<80x128xi1>, vector<80x128xf32>
      %reduce_sum3A_491 = vector.shape_cast %select_n3A_490 : vector<80x128xf32> to vector<1x80x128xf32>
      %reduce_sum3A_492 = arith.constant dense<0.000000e+00> : vector<1xf32>
      %reduce_sum3A_493 = vector.multi_reduction <add>, %reduce_sum3A_491, %reduce_sum3A_492 [1, 2] : vector<1x80x128xf32> to vector<1xf32>
      %reduce_sum3A_494 = vector.shape_cast %reduce_sum3A_493 : vector<1xf32> to vector<1x1x1xf32>
      %reduce_sum3A_495 = vector.extract %reduce_sum3A_494[0, 0, 0] : f32 from vector<1x1x1xf32>
      %lt3A_496 = arith.constant 1 : i32
      %lt3A_497 = vector.broadcast %lt3A_496 : i32 to vector<80x128xi32>
      %lt3A_498 = arith.cmpi slt, %get3A_212, %lt3A_497 : vector<80x128xi32>
      %and3A_499 = arith.andi %and3A_461, %lt3A_498 : vector<80x128xi1>
      %jit3A_500 = arith.constant 1.000000e+00 : f32
      %jit3A_501 = arith.constant 0.000000e+00 : f32
      %broadcast_in_dim3A_502 = vector.broadcast %jit3A_500 : f32 to vector<80x128xf32>
      %broadcast_in_dim3A_503 = vector.broadcast %jit3A_501 : f32 to vector<80x128xf32>
      %select_n3A_504 = arith.select %and3A_499, %broadcast_in_dim3A_502, %broadcast_in_dim3A_503 : vector<80x128xi1>, vector<80x128xf32>
      %reduce_sum3A_505 = vector.shape_cast %select_n3A_504 : vector<80x128xf32> to vector<1x80x128xf32>
      %reduce_sum3A_506 = arith.constant dense<0.000000e+00> : vector<1xf32>
      %reduce_sum3A_507 = vector.multi_reduction <add>, %reduce_sum3A_505, %reduce_sum3A_506 [1, 2] : vector<1x80x128xf32> to vector<1xf32>
      %reduce_sum3A_508 = vector.shape_cast %reduce_sum3A_507 : vector<1xf32> to vector<1x1x1xf32>
      %reduce_sum3A_509 = vector.extract %reduce_sum3A_508[0, 0, 0] : f32 from vector<1x1x1xf32>
      %lt3A_510 = arith.constant 2 : i32
      %lt3A_511 = vector.broadcast %lt3A_510 : i32 to vector<80x128xi32>
      %lt3A_512 = arith.cmpi slt, %get3A_212, %lt3A_511 : vector<80x128xi32>
      %and3A_513 = arith.andi %and3A_461, %lt3A_512 : vector<80x128xi1>
      %jit3A_514 = arith.constant 1.000000e+00 : f32
      %jit3A_515 = arith.constant 0.000000e+00 : f32
      %broadcast_in_dim3A_516 = vector.broadcast %jit3A_514 : f32 to vector<80x128xf32>
      %broadcast_in_dim3A_517 = vector.broadcast %jit3A_515 : f32 to vector<80x128xf32>
      %select_n3A_518 = arith.select %and3A_513, %broadcast_in_dim3A_516, %broadcast_in_dim3A_517 : vector<80x128xi1>, vector<80x128xf32>
      %reduce_sum3A_519 = vector.shape_cast %select_n3A_518 : vector<80x128xf32> to vector<1x80x128xf32>
      %reduce_sum3A_520 = arith.constant dense<0.000000e+00> : vector<1xf32>
      %reduce_sum3A_521 = vector.multi_reduction <add>, %reduce_sum3A_519, %reduce_sum3A_520 [1, 2] : vector<1x80x128xf32> to vector<1xf32>
      %reduce_sum3A_522 = vector.shape_cast %reduce_sum3A_521 : vector<1xf32> to vector<1x1x1xf32>
      %reduce_sum3A_523 = vector.extract %reduce_sum3A_522[0, 0, 0] : f32 from vector<1x1x1xf32>
      %lt3A_524 = arith.constant 3 : i32
      %lt3A_525 = vector.broadcast %lt3A_524 : i32 to vector<80x128xi32>
      %lt3A_526 = arith.cmpi slt, %get3A_212, %lt3A_525 : vector<80x128xi32>
      %and3A_527 = arith.andi %and3A_461, %lt3A_526 : vector<80x128xi1>
      %jit3A_528 = arith.constant 1.000000e+00 : f32
      %jit3A_529 = arith.constant 0.000000e+00 : f32
      %broadcast_in_dim3A_530 = vector.broadcast %jit3A_528 : f32 to vector<80x128xf32>
      %broadcast_in_dim3A_531 = vector.broadcast %jit3A_529 : f32 to vector<80x128xf32>
      %select_n3A_532 = arith.select %and3A_527, %broadcast_in_dim3A_530, %broadcast_in_dim3A_531 : vector<80x128xi1>, vector<80x128xf32>
      %reduce_sum3A_533 = vector.shape_cast %select_n3A_532 : vector<80x128xf32> to vector<1x80x128xf32>
      %reduce_sum3A_534 = arith.constant dense<0.000000e+00> : vector<1xf32>
      %reduce_sum3A_535 = vector.multi_reduction <add>, %reduce_sum3A_533, %reduce_sum3A_534 [1, 2] : vector<1x80x128xf32> to vector<1xf32>
      %reduce_sum3A_536 = vector.shape_cast %reduce_sum3A_535 : vector<1xf32> to vector<1x1x1xf32>
      %reduce_sum3A_537 = vector.extract %reduce_sum3A_536[0, 0, 0] : f32 from vector<1x1x1xf32>
      %lt3A_538 = arith.constant 4 : i32
      %lt3A_539 = vector.broadcast %lt3A_538 : i32 to vector<80x128xi32>
      %lt3A_540 = arith.cmpi slt, %get3A_212, %lt3A_539 : vector<80x128xi32>
      %and3A_541 = arith.andi %and3A_461, %lt3A_540 : vector<80x128xi1>
      %jit3A_542 = arith.constant 1.000000e+00 : f32
      %jit3A_543 = arith.constant 0.000000e+00 : f32
      %broadcast_in_dim3A_544 = vector.broadcast %jit3A_542 : f32 to vector<80x128xf32>
      %broadcast_in_dim3A_545 = vector.broadcast %jit3A_543 : f32 to vector<80x128xf32>
      %select_n3A_546 = arith.select %and3A_541, %broadcast_in_dim3A_544, %broadcast_in_dim3A_545 : vector<80x128xi1>, vector<80x128xf32>
      %reduce_sum3A_547 = vector.shape_cast %select_n3A_546 : vector<80x128xf32> to vector<1x80x128xf32>
      %reduce_sum3A_548 = arith.constant dense<0.000000e+00> : vector<1xf32>
      %reduce_sum3A_549 = vector.multi_reduction <add>, %reduce_sum3A_547, %reduce_sum3A_548 [1, 2] : vector<1x80x128xf32> to vector<1xf32>
      %reduce_sum3A_550 = vector.shape_cast %reduce_sum3A_549 : vector<1xf32> to vector<1x1x1xf32>
      %reduce_sum3A_551 = vector.extract %reduce_sum3A_550[0, 0, 0] : f32 from vector<1x1x1xf32>
      %lt3A_552 = arith.constant 5 : i32
      %lt3A_553 = vector.broadcast %lt3A_552 : i32 to vector<80x128xi32>
      %lt3A_554 = arith.cmpi slt, %get3A_212, %lt3A_553 : vector<80x128xi32>
      %and3A_555 = arith.andi %and3A_461, %lt3A_554 : vector<80x128xi1>
      %jit3A_556 = arith.constant 1.000000e+00 : f32
      %jit3A_557 = arith.constant 0.000000e+00 : f32
      %broadcast_in_dim3A_558 = vector.broadcast %jit3A_556 : f32 to vector<80x128xf32>
      %broadcast_in_dim3A_559 = vector.broadcast %jit3A_557 : f32 to vector<80x128xf32>
      %select_n3A_560 = arith.select %and3A_555, %broadcast_in_dim3A_558, %broadcast_in_dim3A_559 : vector<80x128xi1>, vector<80x128xf32>
      %reduce_sum3A_561 = vector.shape_cast %select_n3A_560 : vector<80x128xf32> to vector<1x80x128xf32>
      %reduce_sum3A_562 = arith.constant dense<0.000000e+00> : vector<1xf32>
      %reduce_sum3A_563 = vector.multi_reduction <add>, %reduce_sum3A_561, %reduce_sum3A_562 [1, 2] : vector<1x80x128xf32> to vector<1xf32>
      %reduce_sum3A_564 = vector.shape_cast %reduce_sum3A_563 : vector<1xf32> to vector<1x1x1xf32>
      %reduce_sum3A_565 = vector.extract %reduce_sum3A_564[0, 0, 0] : f32 from vector<1x1x1xf32>
      %lt3A_566 = arith.constant 6 : i32
      %lt3A_567 = vector.broadcast %lt3A_566 : i32 to vector<80x128xi32>
      %lt3A_568 = arith.cmpi slt, %get3A_212, %lt3A_567 : vector<80x128xi32>
      %and3A_569 = arith.andi %and3A_461, %lt3A_568 : vector<80x128xi1>
      %jit3A_570 = arith.constant 1.000000e+00 : f32
      %jit3A_571 = arith.constant 0.000000e+00 : f32
      %broadcast_in_dim3A_572 = vector.broadcast %jit3A_570 : f32 to vector<80x128xf32>
      %broadcast_in_dim3A_573 = vector.broadcast %jit3A_571 : f32 to vector<80x128xf32>
      %select_n3A_574 = arith.select %and3A_569, %broadcast_in_dim3A_572, %broadcast_in_dim3A_573 : vector<80x128xi1>, vector<80x128xf32>
      %reduce_sum3A_575 = vector.shape_cast %select_n3A_574 : vector<80x128xf32> to vector<1x80x128xf32>
      %reduce_sum3A_576 = arith.constant dense<0.000000e+00> : vector<1xf32>
      %reduce_sum3A_577 = vector.multi_reduction <add>, %reduce_sum3A_575, %reduce_sum3A_576 [1, 2] : vector<1x80x128xf32> to vector<1xf32>
      %reduce_sum3A_578 = vector.shape_cast %reduce_sum3A_577 : vector<1xf32> to vector<1x1x1xf32>
      %reduce_sum3A_579 = vector.extract %reduce_sum3A_578[0, 0, 0] : f32 from vector<1x1x1xf32>
      %lt3A_580 = arith.constant 7 : i32
      %lt3A_581 = vector.broadcast %lt3A_580 : i32 to vector<80x128xi32>
      %lt3A_582 = arith.cmpi slt, %get3A_212, %lt3A_581 : vector<80x128xi32>
      %and3A_583 = arith.andi %and3A_461, %lt3A_582 : vector<80x128xi1>
      %jit3A_584 = arith.constant 1.000000e+00 : f32
      %jit3A_585 = arith.constant 0.000000e+00 : f32
      %broadcast_in_dim3A_586 = vector.broadcast %jit3A_584 : f32 to vector<80x128xf32>
      %broadcast_in_dim3A_587 = vector.broadcast %jit3A_585 : f32 to vector<80x128xf32>
      %select_n3A_588 = arith.select %and3A_583, %broadcast_in_dim3A_586, %broadcast_in_dim3A_587 : vector<80x128xi1>, vector<80x128xf32>
      %reduce_sum3A_589 = vector.shape_cast %select_n3A_588 : vector<80x128xf32> to vector<1x80x128xf32>
      %reduce_sum3A_590 = arith.constant dense<0.000000e+00> : vector<1xf32>
      %reduce_sum3A_591 = vector.multi_reduction <add>, %reduce_sum3A_589, %reduce_sum3A_590 [1, 2] : vector<1x80x128xf32> to vector<1xf32>
      %reduce_sum3A_592 = vector.shape_cast %reduce_sum3A_591 : vector<1xf32> to vector<1x1x1xf32>
      %reduce_sum3A_593 = vector.extract %reduce_sum3A_592[0, 0, 0] : f32 from vector<1x1x1xf32>
      %reshape3A_594 = vector.broadcast %reduce_sum3A_495 : f32 to vector<1x1xf32>
      %reshape3A_595 = vector.broadcast %reduce_sum3A_509 : f32 to vector<1x1xf32>
      %reshape3A_596 = vector.broadcast %reduce_sum3A_523 : f32 to vector<1x1xf32>
      %reshape3A_597 = vector.broadcast %reduce_sum3A_537 : f32 to vector<1x1xf32>
      %reshape3A_598 = vector.broadcast %reduce_sum3A_551 : f32 to vector<1x1xf32>
      %reshape3A_599 = vector.broadcast %reduce_sum3A_565 : f32 to vector<1x1xf32>
      %reshape3A_600 = vector.broadcast %reduce_sum3A_579 : f32 to vector<1x1xf32>
      %reshape3A_601 = vector.broadcast %reduce_sum3A_593 : f32 to vector<1x1xf32>
      %concatenate3A_602 = tpu.concatenate %reshape3A_594, %reshape3A_595, %reshape3A_596, %reshape3A_597, %reshape3A_598, %reshape3A_599, %reshape3A_600, %reshape3A_601 in 1 : vector<1x1xf32>, vector<1x1xf32>, vector<1x1xf32>, vector<1x1xf32>, vector<1x1xf32>, vector<1x1xf32>, vector<1x1xf32>, vector<1x1xf32> -> vector<1x8xf32>
      %slice3A_603 = vector.extract_strided_slice %concatenate3A_602 {offsets = [0, 0], sizes = [1, 1], strides = [1, 1]} : vector<1x8xf32> to vector<1x1xf32>
      %squeeze3A_604 = vector.extract %slice3A_603[0, 0] : f32 from vector<1x1xf32>
      %jit3A_605 = arith.constant 0.000000e+00 : f32
      %broadcast_in_dim3A_606 = vector.broadcast %squeeze3A_604 : f32 to vector<80x128xf32>
      %broadcast_in_dim3A_607 = vector.broadcast %jit3A_605 : f32 to vector<80x128xf32>
      %select_n3A_608 = arith.select %eq3A_224, %broadcast_in_dim3A_606, %broadcast_in_dim3A_607 : vector<80x128xi1>, vector<80x128xf32>
      %slice3A_609 = vector.extract_strided_slice %concatenate3A_602 {offsets = [0, 1], sizes = [1, 1], strides = [1, 1]} : vector<1x8xf32> to vector<1x1xf32>
      %squeeze3A_610 = vector.extract %slice3A_609[0, 0] : f32 from vector<1x1xf32>
      %jit3A_611 = arith.constant 0.000000e+00 : f32
      %broadcast_in_dim3A_612 = vector.broadcast %squeeze3A_610 : f32 to vector<80x128xf32>
      %broadcast_in_dim3A_613 = vector.broadcast %jit3A_611 : f32 to vector<80x128xf32>
      %select_n3A_614 = arith.select %eq3A_227, %broadcast_in_dim3A_612, %broadcast_in_dim3A_613 : vector<80x128xi1>, vector<80x128xf32>
      %add3A_615 = arith.addf %select_n3A_608, %select_n3A_614 : vector<80x128xf32>
      %slice3A_616 = vector.extract_strided_slice %concatenate3A_602 {offsets = [0, 2], sizes = [1, 1], strides = [1, 1]} : vector<1x8xf32> to vector<1x1xf32>
      %squeeze3A_617 = vector.extract %slice3A_616[0, 0] : f32 from vector<1x1xf32>
      %jit3A_618 = arith.constant 0.000000e+00 : f32
      %broadcast_in_dim3A_619 = vector.broadcast %squeeze3A_617 : f32 to vector<80x128xf32>
      %broadcast_in_dim3A_620 = vector.broadcast %jit3A_618 : f32 to vector<80x128xf32>
      %select_n3A_621 = arith.select %eq3A_230, %broadcast_in_dim3A_619, %broadcast_in_dim3A_620 : vector<80x128xi1>, vector<80x128xf32>
      %add3A_622 = arith.addf %add3A_615, %select_n3A_621 : vector<80x128xf32>
      %slice3A_623 = vector.extract_strided_slice %concatenate3A_602 {offsets = [0, 3], sizes = [1, 1], strides = [1, 1]} : vector<1x8xf32> to vector<1x1xf32>
      %squeeze3A_624 = vector.extract %slice3A_623[0, 0] : f32 from vector<1x1xf32>
      %jit3A_625 = arith.constant 0.000000e+00 : f32
      %broadcast_in_dim3A_626 = vector.broadcast %squeeze3A_624 : f32 to vector<80x128xf32>
      %broadcast_in_dim3A_627 = vector.broadcast %jit3A_625 : f32 to vector<80x128xf32>
      %select_n3A_628 = arith.select %eq3A_233, %broadcast_in_dim3A_626, %broadcast_in_dim3A_627 : vector<80x128xi1>, vector<80x128xf32>
      %add3A_629 = arith.addf %add3A_622, %select_n3A_628 : vector<80x128xf32>
      %slice3A_630 = vector.extract_strided_slice %concatenate3A_602 {offsets = [0, 4], sizes = [1, 1], strides = [1, 1]} : vector<1x8xf32> to vector<1x1xf32>
      %squeeze3A_631 = vector.extract %slice3A_630[0, 0] : f32 from vector<1x1xf32>
      %jit3A_632 = arith.constant 0.000000e+00 : f32
      %broadcast_in_dim3A_633 = vector.broadcast %squeeze3A_631 : f32 to vector<80x128xf32>
      %broadcast_in_dim3A_634 = vector.broadcast %jit3A_632 : f32 to vector<80x128xf32>
      %select_n3A_635 = arith.select %eq3A_236, %broadcast_in_dim3A_633, %broadcast_in_dim3A_634 : vector<80x128xi1>, vector<80x128xf32>
      %add3A_636 = arith.addf %add3A_629, %select_n3A_635 : vector<80x128xf32>
      %slice3A_637 = vector.extract_strided_slice %concatenate3A_602 {offsets = [0, 5], sizes = [1, 1], strides = [1, 1]} : vector<1x8xf32> to vector<1x1xf32>
      %squeeze3A_638 = vector.extract %slice3A_637[0, 0] : f32 from vector<1x1xf32>
      %jit3A_639 = arith.constant 0.000000e+00 : f32
      %broadcast_in_dim3A_640 = vector.broadcast %squeeze3A_638 : f32 to vector<80x128xf32>
      %broadcast_in_dim3A_641 = vector.broadcast %jit3A_639 : f32 to vector<80x128xf32>
      %select_n3A_642 = arith.select %eq3A_239, %broadcast_in_dim3A_640, %broadcast_in_dim3A_641 : vector<80x128xi1>, vector<80x128xf32>
      %add3A_643 = arith.addf %add3A_636, %select_n3A_642 : vector<80x128xf32>
      %slice3A_644 = vector.extract_strided_slice %concatenate3A_602 {offsets = [0, 6], sizes = [1, 1], strides = [1, 1]} : vector<1x8xf32> to vector<1x1xf32>
      %squeeze3A_645 = vector.extract %slice3A_644[0, 0] : f32 from vector<1x1xf32>
      %jit3A_646 = arith.constant 0.000000e+00 : f32
      %broadcast_in_dim3A_647 = vector.broadcast %squeeze3A_645 : f32 to vector<80x128xf32>
      %broadcast_in_dim3A_648 = vector.broadcast %jit3A_646 : f32 to vector<80x128xf32>
      %select_n3A_649 = arith.select %eq3A_242, %broadcast_in_dim3A_647, %broadcast_in_dim3A_648 : vector<80x128xi1>, vector<80x128xf32>
      %add3A_650 = arith.addf %add3A_643, %select_n3A_649 : vector<80x128xf32>
      %slice3A_651 = vector.extract_strided_slice %concatenate3A_602 {offsets = [0, 7], sizes = [1, 1], strides = [1, 1]} : vector<1x8xf32> to vector<1x1xf32>
      %squeeze3A_652 = vector.extract %slice3A_651[0, 0] : f32 from vector<1x1xf32>
      %jit3A_653 = arith.constant 0.000000e+00 : f32
      %broadcast_in_dim3A_654 = vector.broadcast %squeeze3A_652 : f32 to vector<80x128xf32>
      %broadcast_in_dim3A_655 = vector.broadcast %jit3A_653 : f32 to vector<80x128xf32>
      %select_n3A_656 = arith.select %eq3A_245, %broadcast_in_dim3A_654, %broadcast_in_dim3A_655 : vector<80x128xi1>, vector<80x128xf32>
      %add3A_657 = arith.addf %add3A_650, %select_n3A_656 : vector<80x128xf32>
      %sub3A_658 = arith.subf %sub3A_481, %add3A_657 : vector<80x128xf32>
      %lt3A_659 = arith.cmpf olt, %sub3A_658, %add3A_455 : vector<80x128xf32>
      %and3A_660 = arith.andi %and3A_461, %lt3A_659 : vector<80x128xi1>
      %or3A = arith.ori %and3A, %and3A_660 : vector<80x128xi1>
      %jit3A_661 = arith.constant 0.000000e+00 : f32
      %broadcast_in_dim3A_662 = vector.broadcast %jit3A_661 : f32 to vector<80x128xf32>
      %select_n3A_663 = arith.select %or3A, %tanh3A, %broadcast_in_dim3A_662 : vector<80x128xi1>, vector<80x128xf32>
      %swap3A_664 = arith.constant 0 : index
      %swap3A_665 = arith.constant 0 : index
      %swap3A_666 = vector.load %arg9[%swap3A_664, %swap3A_665] : memref<80x128xf32, #tpu.memory_space<vmem>>, vector<80x128xf32>
      tpu.vector_store %arg9[%swap3A_664, %swap3A_665], %select_n3A_663 {strides = array<i32>} : memref<80x128xf32, #tpu.memory_space<vmem>>, vector<80x128xf32>,
      %jit3A_667 = arith.constant 1.000000e+00 : f32
      %jit3A_668 = arith.constant 0.000000e+00 : f32
      %broadcast_in_dim3A_669 = vector.broadcast %jit3A_667 : f32 to vector<80x128xf32>
      %broadcast_in_dim3A_670 = vector.broadcast %jit3A_668 : f32 to vector<80x128xf32>
      %select_n3A_671 = arith.select %or3A, %broadcast_in_dim3A_669, %broadcast_in_dim3A_670 : vector<80x128xi1>, vector<80x128xf32>
      %swap3A_672 = arith.constant 0 : index
      %swap3A_673 = arith.constant 0 : index
      %swap3A_674 = vector.load %arg10[%swap3A_672, %swap3A_673] : memref<80x128xf32, #tpu.memory_space<vmem>>, vector<80x128xf32>
      tpu.vector_store %arg10[%swap3A_672, %swap3A_673], %select_n3A_671 {strides = array<i32>} : memref<80x128xf32, #tpu.memory_space<vmem>>, vector<80x128xf32>,
      %broadcast_in_dim3A_675 = vector.broadcast %cond3A : f32 to vector<8x128xf32>
      %swap3A_676 = arith.constant 0 : index
      %swap3A_677 = arith.constant 0 : index
      %swap3A_678 = vector.load %arg11[%swap3A_676, %swap3A_677] : memref<8x128xf32, #tpu.memory_space<vmem>>, vector<8x128xf32>
      tpu.vector_store %arg11[%swap3A_676, %swap3A_677], %broadcast_in_dim3A_675 {strides = array<i32>} : memref<8x128xf32, #tpu.memory_space<vmem>>, vector<8x128xf32>,
      %broadcast_in_dim3A_679 = arith.constant 0.000000e+00 : f32
      %broadcast_in_dim3A_680 = vector.broadcast %broadcast_in_dim3A_679 : f32 to vector<8x128xf32>
      %swap3A_681 = arith.constant 0 : index
      %swap3A_682 = arith.constant 0 : index
      %swap3A_683 = vector.load %arg12[%swap3A_681, %swap3A_682] : memref<8x128xf32, #tpu.memory_space<vmem>>, vector<8x128xf32>
      tpu.vector_store %arg12[%swap3A_681, %swap3A_682], %broadcast_in_dim3A_680 {strides = array<i32>} : memref<8x128xf32, #tpu.memory_space<vmem>>, vector<8x128xf32>,
      %broadcast_in_dim3A_684 = arith.constant 0.000000e+00 : f32
      %broadcast_in_dim3A_685 = vector.broadcast %broadcast_in_dim3A_684 : f32 to vector<8x128xf32>
      %swap3A_686 = arith.constant 0 : index
      %swap3A_687 = arith.constant 0 : index
      %swap3A_688 = vector.load %arg13[%swap3A_686, %swap3A_687] : memref<8x128xf32, #tpu.memory_space<vmem>>, vector<8x128xf32>
      tpu.vector_store %arg13[%swap3A_686, %swap3A_687], %broadcast_in_dim3A_685 {strides = array<i32>} : memref<8x128xf32, #tpu.memory_space<vmem>>, vector<8x128xf32>,
    } else {
    }
    %mul3A = arith.constant 4 : i32
    %mul3A_9 = arith.muli %arg0, %mul3A : i32
    %get3A = arith.index_cast %mul3A_9 : i32 to index
    %get3A_10 = arith.constant 0 : index
    %get3A_11 = vector.load %arg4[%get3A, %get3A_10] : memref<80x128xi32, #tpu.memory_space<vmem>>, vector<4x128xi32>
    %mul3A_12 = arith.constant 4 : i32
    %mul3A_13 = arith.muli %arg0, %mul3A_12 : i32
    %get3A_14 = arith.index_cast %mul3A_13 : i32 to index
    %get3A_15 = arith.constant 0 : index
    %get3A_16 = vector.load %arg9[%get3A_14, %get3A_15] : memref<80x128xf32, #tpu.memory_space<vmem>>, vector<4x128xf32>
    %slice3A = vector.extract_strided_slice %get3A_16 {offsets = [0, 0], sizes = [1, 128], strides = [1, 1]} : vector<4x128xf32> to vector<1x128xf32>
    %gt3A = arith.constant 5.000000e-01 : f32
    %gt3A_17 = vector.broadcast %gt3A : f32 to vector<128x128xf32>
    %gt3A_18 = arith.cmpf ogt, %select_n3A, %gt3A_17 : vector<128x128xf32>
    %broadcast_in_dim3A_19 = vector.shape_cast %slice3A : vector<1x128xf32> to vector<1x128xf32>
    %broadcast_in_dim3A_20 = vector.broadcast %broadcast_in_dim3A_19 : vector<1x128xf32> to vector<128x128xf32>
    %jit3A_21 = arith.constant 0.000000e+00 : f32
    %broadcast_in_dim3A_22 = vector.broadcast %jit3A_21 : f32 to vector<128x128xf32>
    %select_n3A_23 = arith.select %gt3A_18, %broadcast_in_dim3A_20, %broadcast_in_dim3A_22 : vector<128x128xi1>, vector<128x128xf32>
    %dot_general3A = arith.constant dense<0.000000e+00> : vector<128x1xf32>
    %dot_general3A_24 = tpu.matmul %select_n3A_23, %broadcast_in_dim3A_4, %dot_general3A {dimension_numbers = #tpu.dot_dimension_numbers<[1], [0], [0], [1], [0, 0, 1, 1], [], []>, transpose_lhs_hint = false} : vector<128x128xf32>, vector<128x1xf32>, vector<128x1xf32> -> vector<128x1xf32>
    %slice3A_25 = vector.extract_strided_slice %get3A_16 {offsets = [1, 0], sizes = [1, 128], strides = [1, 1]} : vector<4x128xf32> to vector<1x128xf32>
    %gt3A_26 = arith.constant 5.000000e-01 : f32
    %gt3A_27 = vector.broadcast %gt3A_26 : f32 to vector<128x128xf32>
    %gt3A_28 = arith.cmpf ogt, %select_n3A, %gt3A_27 : vector<128x128xf32>
    %broadcast_in_dim3A_29 = vector.shape_cast %slice3A_25 : vector<1x128xf32> to vector<1x128xf32>
    %broadcast_in_dim3A_30 = vector.broadcast %broadcast_in_dim3A_29 : vector<1x128xf32> to vector<128x128xf32>
    %jit3A_31 = arith.constant 0.000000e+00 : f32
    %broadcast_in_dim3A_32 = vector.broadcast %jit3A_31 : f32 to vector<128x128xf32>
    %select_n3A_33 = arith.select %gt3A_28, %broadcast_in_dim3A_30, %broadcast_in_dim3A_32 : vector<128x128xi1>, vector<128x128xf32>
    %dot_general3A_34 = arith.constant dense<0.000000e+00> : vector<128x1xf32>
    %dot_general3A_35 = tpu.matmul %select_n3A_33, %broadcast_in_dim3A_4, %dot_general3A_34 {dimension_numbers = #tpu.dot_dimension_numbers<[1], [0], [0], [1], [0, 0, 1, 1], [], []>, transpose_lhs_hint = false} : vector<128x128xf32>, vector<128x1xf32>, vector<128x1xf32> -> vector<128x1xf32>
    %slice3A_36 = vector.extract_strided_slice %get3A_16 {offsets = [2, 0], sizes = [1, 128], strides = [1, 1]} : vector<4x128xf32> to vector<1x128xf32>
    %gt3A_37 = arith.constant 5.000000e-01 : f32
    %gt3A_38 = vector.broadcast %gt3A_37 : f32 to vector<128x128xf32>
    %gt3A_39 = arith.cmpf ogt, %select_n3A, %gt3A_38 : vector<128x128xf32>
    %broadcast_in_dim3A_40 = vector.shape_cast %slice3A_36 : vector<1x128xf32> to vector<1x128xf32>
    %broadcast_in_dim3A_41 = vector.broadcast %broadcast_in_dim3A_40 : vector<1x128xf32> to vector<128x128xf32>
    %jit3A_42 = arith.constant 0.000000e+00 : f32
    %broadcast_in_dim3A_43 = vector.broadcast %jit3A_42 : f32 to vector<128x128xf32>
    %select_n3A_44 = arith.select %gt3A_39, %broadcast_in_dim3A_41, %broadcast_in_dim3A_43 : vector<128x128xi1>, vector<128x128xf32>
    %dot_general3A_45 = arith.constant dense<0.000000e+00> : vector<128x1xf32>
    %dot_general3A_46 = tpu.matmul %select_n3A_44, %broadcast_in_dim3A_4, %dot_general3A_45 {dimension_numbers = #tpu.dot_dimension_numbers<[1], [0], [0], [1], [0, 0, 1, 1], [], []>, transpose_lhs_hint = false} : vector<128x128xf32>, vector<128x1xf32>, vector<128x1xf32> -> vector<128x1xf32>
    %slice3A_47 = vector.extract_strided_slice %get3A_16 {offsets = [3, 0], sizes = [1, 128], strides = [1, 1]} : vector<4x128xf32> to vector<1x128xf32>
    %gt3A_48 = arith.constant 5.000000e-01 : f32
    %gt3A_49 = vector.broadcast %gt3A_48 : f32 to vector<128x128xf32>
    %gt3A_50 = arith.cmpf ogt, %select_n3A, %gt3A_49 : vector<128x128xf32>
    %broadcast_in_dim3A_51 = vector.shape_cast %slice3A_47 : vector<1x128xf32> to vector<1x128xf32>
    %broadcast_in_dim3A_52 = vector.broadcast %broadcast_in_dim3A_51 : vector<1x128xf32> to vector<128x128xf32>
    %jit3A_53 = arith.constant 0.000000e+00 : f32
    %broadcast_in_dim3A_54 = vector.broadcast %jit3A_53 : f32 to vector<128x128xf32>
    %select_n3A_55 = arith.select %gt3A_50, %broadcast_in_dim3A_52, %broadcast_in_dim3A_54 : vector<128x128xi1>, vector<128x128xf32>
    %dot_general3A_56 = arith.constant dense<0.000000e+00> : vector<128x1xf32>
    %dot_general3A_57 = tpu.matmul %select_n3A_55, %broadcast_in_dim3A_4, %dot_general3A_56 {dimension_numbers = #tpu.dot_dimension_numbers<[1], [0], [0], [1], [0, 0, 1, 1], [], []>, transpose_lhs_hint = false} : vector<128x128xf32>, vector<128x1xf32>, vector<128x1xf32> -> vector<128x1xf32>
    %concatenate3A = tpu.concatenate %dot_general3A_24, %dot_general3A_35, %dot_general3A_46, %dot_general3A_57 in 0 : vector<128x1xf32>, vector<128x1xf32>, vector<128x1xf32>, vector<128x1xf32> -> vector<512x1xf32>
    %mul3A_58 = arith.constant 4 : i32
    %mul3A_59 = arith.muli %arg0, %mul3A_58 : i32
    %get3A_60 = arith.index_cast %mul3A_59 : i32 to index
    %get3A_61 = arith.constant 0 : index
    %get3A_62 = vector.load %arg10[%get3A_60, %get3A_61] : memref<80x128xf32, #tpu.memory_space<vmem>>, vector<4x128xf32>
    %slice3A_63 = vector.extract_strided_slice %get3A_62 {offsets = [0, 0], sizes = [1, 128], strides = [1, 1]} : vector<4x128xf32> to vector<1x128xf32>
    %gt3A_64 = arith.constant 5.000000e-01 : f32
    %gt3A_65 = vector.broadcast %gt3A_64 : f32 to vector<128x128xf32>
    %gt3A_66 = arith.cmpf ogt, %select_n3A, %gt3A_65 : vector<128x128xf32>
    %broadcast_in_dim3A_67 = vector.shape_cast %slice3A_63 : vector<1x128xf32> to vector<1x128xf32>
    %broadcast_in_dim3A_68 = vector.broadcast %broadcast_in_dim3A_67 : vector<1x128xf32> to vector<128x128xf32>
    %jit3A_69 = arith.constant 0.000000e+00 : f32
    %broadcast_in_dim3A_70 = vector.broadcast %jit3A_69 : f32 to vector<128x128xf32>
    %select_n3A_71 = arith.select %gt3A_66, %broadcast_in_dim3A_68, %broadcast_in_dim3A_70 : vector<128x128xi1>, vector<128x128xf32>
    %dot_general3A_72 = arith.constant dense<0.000000e+00> : vector<128x1xf32>
    %dot_general3A_73 = tpu.matmul %select_n3A_71, %broadcast_in_dim3A_4, %dot_general3A_72 {dimension_numbers = #tpu.dot_dimension_numbers<[1], [0], [0], [1], [0, 0, 1, 1], [], []>, transpose_lhs_hint = false} : vector<128x128xf32>, vector<128x1xf32>, vector<128x1xf32> -> vector<128x1xf32>
    %slice3A_74 = vector.extract_strided_slice %get3A_62 {offsets = [1, 0], sizes = [1, 128], strides = [1, 1]} : vector<4x128xf32> to vector<1x128xf32>
    %gt3A_75 = arith.constant 5.000000e-01 : f32
    %gt3A_76 = vector.broadcast %gt3A_75 : f32 to vector<128x128xf32>
    %gt3A_77 = arith.cmpf ogt, %select_n3A, %gt3A_76 : vector<128x128xf32>
    %broadcast_in_dim3A_78 = vector.shape_cast %slice3A_74 : vector<1x128xf32> to vector<1x128xf32>
    %broadcast_in_dim3A_79 = vector.broadcast %broadcast_in_dim3A_78 : vector<1x128xf32> to vector<128x128xf32>
    %jit3A_80 = arith.constant 0.000000e+00 : f32
    %broadcast_in_dim3A_81 = vector.broadcast %jit3A_80 : f32 to vector<128x128xf32>
    %select_n3A_82 = arith.select %gt3A_77, %broadcast_in_dim3A_79, %broadcast_in_dim3A_81 : vector<128x128xi1>, vector<128x128xf32>
    %dot_general3A_83 = arith.constant dense<0.000000e+00> : vector<128x1xf32>
    %dot_general3A_84 = tpu.matmul %select_n3A_82, %broadcast_in_dim3A_4, %dot_general3A_83 {dimension_numbers = #tpu.dot_dimension_numbers<[1], [0], [0], [1], [0, 0, 1, 1], [], []>, transpose_lhs_hint = false} : vector<128x128xf32>, vector<128x1xf32>, vector<128x1xf32> -> vector<128x1xf32>
    %slice3A_85 = vector.extract_strided_slice %get3A_62 {offsets = [2, 0], sizes = [1, 128], strides = [1, 1]} : vector<4x128xf32> to vector<1x128xf32>
    %gt3A_86 = arith.constant 5.000000e-01 : f32
    %gt3A_87 = vector.broadcast %gt3A_86 : f32 to vector<128x128xf32>
    %gt3A_88 = arith.cmpf ogt, %select_n3A, %gt3A_87 : vector<128x128xf32>
    %broadcast_in_dim3A_89 = vector.shape_cast %slice3A_85 : vector<1x128xf32> to vector<1x128xf32>
    %broadcast_in_dim3A_90 = vector.broadcast %broadcast_in_dim3A_89 : vector<1x128xf32> to vector<128x128xf32>
    %jit3A_91 = arith.constant 0.000000e+00 : f32
    %broadcast_in_dim3A_92 = vector.broadcast %jit3A_91 : f32 to vector<128x128xf32>
    %select_n3A_93 = arith.select %gt3A_88, %broadcast_in_dim3A_90, %broadcast_in_dim3A_92 : vector<128x128xi1>, vector<128x128xf32>
    %dot_general3A_94 = arith.constant dense<0.000000e+00> : vector<128x1xf32>
    %dot_general3A_95 = tpu.matmul %select_n3A_93, %broadcast_in_dim3A_4, %dot_general3A_94 {dimension_numbers = #tpu.dot_dimension_numbers<[1], [0], [0], [1], [0, 0, 1, 1], [], []>, transpose_lhs_hint = false} : vector<128x128xf32>, vector<128x1xf32>, vector<128x1xf32> -> vector<128x1xf32>
    %slice3A_96 = vector.extract_strided_slice %get3A_62 {offsets = [3, 0], sizes = [1, 128], strides = [1, 1]} : vector<4x128xf32> to vector<1x128xf32>
    %gt3A_97 = arith.constant 5.000000e-01 : f32
    %gt3A_98 = vector.broadcast %gt3A_97 : f32 to vector<128x128xf32>
    %gt3A_99 = arith.cmpf ogt, %select_n3A, %gt3A_98 : vector<128x128xf32>
    %broadcast_in_dim3A_100 = vector.shape_cast %slice3A_96 : vector<1x128xf32> to vector<1x128xf32>
    %broadcast_in_dim3A_101 = vector.broadcast %broadcast_in_dim3A_100 : vector<1x128xf32> to vector<128x128xf32>
    %jit3A_102 = arith.constant 0.000000e+00 : f32
    %broadcast_in_dim3A_103 = vector.broadcast %jit3A_102 : f32 to vector<128x128xf32>
    %select_n3A_104 = arith.select %gt3A_99, %broadcast_in_dim3A_101, %broadcast_in_dim3A_103 : vector<128x128xi1>, vector<128x128xf32>
    %dot_general3A_105 = arith.constant dense<0.000000e+00> : vector<128x1xf32>
    %dot_general3A_106 = tpu.matmul %select_n3A_104, %broadcast_in_dim3A_4, %dot_general3A_105 {dimension_numbers = #tpu.dot_dimension_numbers<[1], [0], [0], [1], [0, 0, 1, 1], [], []>, transpose_lhs_hint = false} : vector<128x128xf32>, vector<128x1xf32>, vector<128x1xf32> -> vector<128x1xf32>
    %concatenate3A_107 = tpu.concatenate %dot_general3A_73, %dot_general3A_84, %dot_general3A_95, %dot_general3A_106 in 0 : vector<128x1xf32>, vector<128x1xf32>, vector<128x1xf32>, vector<128x1xf32> -> vector<512x1xf32>
    %convert_element_type3A_108 = arith.sitofp %get3A_11 : vector<4x128xi32> to vector<4x128xf32>
    %slice3A_109 = vector.extract_strided_slice %convert_element_type3A_108 {offsets = [0, 0], sizes = [1, 128], strides = [1, 1]} : vector<4x128xf32> to vector<1x128xf32>
    %gt3A_110 = arith.constant 5.000000e-01 : f32
    %gt3A_111 = vector.broadcast %gt3A_110 : f32 to vector<128x128xf32>
    %gt3A_112 = arith.cmpf ogt, %select_n3A, %gt3A_111 : vector<128x128xf32>
    %broadcast_in_dim3A_113 = vector.shape_cast %slice3A_109 : vector<1x128xf32> to vector<1x128xf32>
    %broadcast_in_dim3A_114 = vector.broadcast %broadcast_in_dim3A_113 : vector<1x128xf32> to vector<128x128xf32>
    %jit3A_115 = arith.constant 0.000000e+00 : f32
    %broadcast_in_dim3A_116 = vector.broadcast %jit3A_115 : f32 to vector<128x128xf32>
    %select_n3A_117 = arith.select %gt3A_112, %broadcast_in_dim3A_114, %broadcast_in_dim3A_116 : vector<128x128xi1>, vector<128x128xf32>
    %dot_general3A_118 = arith.constant dense<0.000000e+00> : vector<128x1xf32>
    %dot_general3A_119 = tpu.matmul %select_n3A_117, %broadcast_in_dim3A_4, %dot_general3A_118 {dimension_numbers = #tpu.dot_dimension_numbers<[1], [0], [0], [1], [0, 0, 1, 1], [], []>, transpose_lhs_hint = false} : vector<128x128xf32>, vector<128x1xf32>, vector<128x1xf32> -> vector<128x1xf32>
    %slice3A_120 = vector.extract_strided_slice %convert_element_type3A_108 {offsets = [1, 0], sizes = [1, 128], strides = [1, 1]} : vector<4x128xf32> to vector<1x128xf32>
    %gt3A_121 = arith.constant 5.000000e-01 : f32
    %gt3A_122 = vector.broadcast %gt3A_121 : f32 to vector<128x128xf32>
    %gt3A_123 = arith.cmpf ogt, %select_n3A, %gt3A_122 : vector<128x128xf32>
    %broadcast_in_dim3A_124 = vector.shape_cast %slice3A_120 : vector<1x128xf32> to vector<1x128xf32>
    %broadcast_in_dim3A_125 = vector.broadcast %broadcast_in_dim3A_124 : vector<1x128xf32> to vector<128x128xf32>
    %jit3A_126 = arith.constant 0.000000e+00 : f32
    %broadcast_in_dim3A_127 = vector.broadcast %jit3A_126 : f32 to vector<128x128xf32>
    %select_n3A_128 = arith.select %gt3A_123, %broadcast_in_dim3A_125, %broadcast_in_dim3A_127 : vector<128x128xi1>, vector<128x128xf32>
    %dot_general3A_129 = arith.constant dense<0.000000e+00> : vector<128x1xf32>
    %dot_general3A_130 = tpu.matmul %select_n3A_128, %broadcast_in_dim3A_4, %dot_general3A_129 {dimension_numbers = #tpu.dot_dimension_numbers<[1], [0], [0], [1], [0, 0, 1, 1], [], []>, transpose_lhs_hint = false} : vector<128x128xf32>, vector<128x1xf32>, vector<128x1xf32> -> vector<128x1xf32>
    %slice3A_131 = vector.extract_strided_slice %convert_element_type3A_108 {offsets = [2, 0], sizes = [1, 128], strides = [1, 1]} : vector<4x128xf32> to vector<1x128xf32>
    %gt3A_132 = arith.constant 5.000000e-01 : f32
    %gt3A_133 = vector.broadcast %gt3A_132 : f32 to vector<128x128xf32>
    %gt3A_134 = arith.cmpf ogt, %select_n3A, %gt3A_133 : vector<128x128xf32>
    %broadcast_in_dim3A_135 = vector.shape_cast %slice3A_131 : vector<1x128xf32> to vector<1x128xf32>
    %broadcast_in_dim3A_136 = vector.broadcast %broadcast_in_dim3A_135 : vector<1x128xf32> to vector<128x128xf32>
    %jit3A_137 = arith.constant 0.000000e+00 : f32
    %broadcast_in_dim3A_138 = vector.broadcast %jit3A_137 : f32 to vector<128x128xf32>
    %select_n3A_139 = arith.select %gt3A_134, %broadcast_in_dim3A_136, %broadcast_in_dim3A_138 : vector<128x128xi1>, vector<128x128xf32>
    %dot_general3A_140 = arith.constant dense<0.000000e+00> : vector<128x1xf32>
    %dot_general3A_141 = tpu.matmul %select_n3A_139, %broadcast_in_dim3A_4, %dot_general3A_140 {dimension_numbers = #tpu.dot_dimension_numbers<[1], [0], [0], [1], [0, 0, 1, 1], [], []>, transpose_lhs_hint = false} : vector<128x128xf32>, vector<128x1xf32>, vector<128x1xf32> -> vector<128x1xf32>
    %slice3A_142 = vector.extract_strided_slice %convert_element_type3A_108 {offsets = [3, 0], sizes = [1, 128], strides = [1, 1]} : vector<4x128xf32> to vector<1x128xf32>
    %gt3A_143 = arith.constant 5.000000e-01 : f32
    %gt3A_144 = vector.broadcast %gt3A_143 : f32 to vector<128x128xf32>
    %gt3A_145 = arith.cmpf ogt, %select_n3A, %gt3A_144 : vector<128x128xf32>
    %broadcast_in_dim3A_146 = vector.shape_cast %slice3A_142 : vector<1x128xf32> to vector<1x128xf32>
    %broadcast_in_dim3A_147 = vector.broadcast %broadcast_in_dim3A_146 : vector<1x128xf32> to vector<128x128xf32>
    %jit3A_148 = arith.constant 0.000000e+00 : f32
    %broadcast_in_dim3A_149 = vector.broadcast %jit3A_148 : f32 to vector<128x128xf32>
    %select_n3A_150 = arith.select %gt3A_145, %broadcast_in_dim3A_147, %broadcast_in_dim3A_149 : vector<128x128xi1>, vector<128x128xf32>
    %dot_general3A_151 = arith.constant dense<0.000000e+00> : vector<128x1xf32>
    %dot_general3A_152 = tpu.matmul %select_n3A_150, %broadcast_in_dim3A_4, %dot_general3A_151 {dimension_numbers = #tpu.dot_dimension_numbers<[1], [0], [0], [1], [0, 0, 1, 1], [], []>, transpose_lhs_hint = false} : vector<128x128xf32>, vector<128x1xf32>, vector<128x1xf32> -> vector<128x1xf32>
    %concatenate3A_153 = tpu.concatenate %dot_general3A_119, %dot_general3A_130, %dot_general3A_141, %dot_general3A_152 in 0 : vector<128x1xf32>, vector<128x1xf32>, vector<128x1xf32>, vector<128x1xf32> -> vector<512x1xf32>
    %get3A_154 = arith.constant 0 : index
    %get3A_155 = arith.constant 0 : index
    %get3A_156 = vector.load %arg6[%get3A_154, %get3A_155] : memref<512x128xf32, #tpu.memory_space<vmem>>, vector<512x128xf32>
    %mul3A_157 = vector.broadcast %concatenate3A : vector<512x1xf32> to vector<512x128xf32>
    %mul3A_158 = arith.mulf %get3A_156, %mul3A_157 : vector<512x128xf32>
    %reduce_min3A = vector.shape_cast %get3A_11 : vector<4x128xi32> to vector<1x4x128xi32>
    %reduce_min3A_159 = arith.constant dense<2147483647> : vector<1xi32>
    %reduce_min3A_160 = vector.multi_reduction <minsi>, %reduce_min3A, %reduce_min3A_159 [1, 2] : vector<1x4x128xi32> to vector<1xi32>
    %reduce_min3A_161 = vector.shape_cast %reduce_min3A_160 : vector<1xi32> to vector<1x1x1xi32>
    %reduce_min3A_162 = vector.extract %reduce_min3A_161[0, 0, 0] : i32 from vector<1x1x1xi32>
    %reduce_max3A = vector.shape_cast %get3A_11 : vector<4x128xi32> to vector<1x4x128xi32>
    %reduce_max3A_163 = arith.constant dense<-2147483648> : vector<1xi32>
    %reduce_max3A_164 = vector.multi_reduction <maxsi>, %reduce_max3A, %reduce_max3A_163 [1, 2] : vector<1x4x128xi32> to vector<1xi32>
    %reduce_max3A_165 = vector.shape_cast %reduce_max3A_164 : vector<1xi32> to vector<1x1x1xi32>
    %reduce_max3A_166 = vector.extract %reduce_max3A_165[0, 0, 0] : i32 from vector<1x1x1xi32>
    %min3A = arith.constant 7 : i32
    %min3A_167 = arith.minsi %reduce_max3A_166, %min3A : i32
    %add3A = arith.constant 1 : i32
    %add3A_168 = arith.addi %min3A_167, %add3A : i32
    %while3A = arith.constant 0 : i32
    %while3A_169 = arith.constant 0xFF800000 : f32
    %while3A_170 = arith.subi %add3A_168, %reduce_min3A_162 : i32
    %while3A_171 = arith.addi %reduce_min3A_162, %while3A_170 : i32
    %while3A_172 = arith.constant 1 : i32
    %while3A_173 = arith.divsi %while3A_170, %while3A_172 : i32
    %while3A_174 = arith.muli %while3A_173, %while3A_172 : i32
    %while3A_175 = arith.addi %reduce_min3A_162, %while3A_174 : i32
    %while3A_176 = arith.constant 1 : i32
    scf.for %while3A_183 = %reduce_min3A_162 to %while3A_175 step %while3A_176  : i32 {
      %convert_element_type3A_184 = arith.sitofp %while3A_183 : i32 to f32
      %gt3A_185 = arith.constant 5.000000e-01 : f32
      %gt3A_186 = vector.broadcast %gt3A_185 : f32 to vector<512x1xf32>
      %gt3A_187 = arith.cmpf ogt, %concatenate3A_107, %gt3A_186 : vector<512x1xf32>
      %sub3A = vector.broadcast %convert_element_type3A_184 : f32 to vector<512x1xf32>
      %sub3A_188 = arith.subf %concatenate3A_153, %sub3A : vector<512x1xf32>
      %abs3A = math.absf %sub3A_188 : vector<512x1xf32>
      %lt3A = arith.constant 5.000000e-01 : f32
      %lt3A_189 = vector.broadcast %lt3A : f32 to vector<512x1xf32>
      %lt3A_190 = arith.cmpf olt, %abs3A, %lt3A_189 : vector<512x1xf32>
      %and3A = arith.andi %gt3A_187, %lt3A_190 : vector<512x1xi1>
      %broadcast_in_dim3A_191 = vector.shape_cast %and3A : vector<512x1xi1> to vector<512x1xi1>
      %broadcast_in_dim3A_192 = vector.broadcast %broadcast_in_dim3A_191 : vector<512x1xi1> to vector<512x128xi1>
      %broadcast_in_dim3A_193 = vector.broadcast %while3A_169 : f32 to vector<512x128xf32>
      %select_n3A_194 = arith.select %broadcast_in_dim3A_192, %mul3A_158, %broadcast_in_dim3A_193 : vector<512x128xi1>, vector<512x128xf32>
      %reduce_max3A_195 = arith.constant dense<0xFF800000> : vector<128xf32>
      %reduce_max3A_196 = vector.multi_reduction <maximumf>, %select_n3A_194, %reduce_max3A_195 [0] : vector<512x128xf32> to vector<128xf32>
      %broadcast_in_dim3A_197 = vector.shape_cast %reduce_max3A_196 : vector<128xf32> to vector<1x128xf32>
      %jit3A_198 = arith.constant 0.000000e+00 : f32
      %broadcast_in_dim3A_199 = vector.shape_cast %and3A : vector<512x1xi1> to vector<512x1xi1>
      %broadcast_in_dim3A_200 = vector.broadcast %broadcast_in_dim3A_199 : vector<512x1xi1> to vector<512x128xi1>
      %broadcast_in_dim3A_201 = vector.broadcast %jit3A_198 : f32 to vector<512x128xf32>
      %select_n3A_202 = arith.select %broadcast_in_dim3A_200, %mul3A_158, %broadcast_in_dim3A_201 : vector<512x128xi1>, vector<512x128xf32>
      %reduce_sum3A = arith.constant dense<0.000000e+00> : vector<128xf32>
      %reduce_sum3A_203 = vector.multi_reduction <add>, %select_n3A_202, %reduce_sum3A [0] : vector<512x128xf32> to vector<128xf32>
      %broadcast_in_dim3A_204 = vector.shape_cast %reduce_sum3A_203 : vector<128xf32> to vector<1x128xf32>
      %jit3A_205 = arith.constant 1.000000e+00 : f32
      %jit3A_206 = arith.constant 0.000000e+00 : f32
      %broadcast_in_dim3A_207 = vector.broadcast %jit3A_205 : f32 to vector<512x1xf32>
      %broadcast_in_dim3A_208 = vector.broadcast %jit3A_206 : f32 to vector<512x1xf32>
      %select_n3A_209 = arith.select %and3A, %broadcast_in_dim3A_207, %broadcast_in_dim3A_208 : vector<512x1xi1>, vector<512x1xf32>
      %reduce_sum3A_210 = vector.shape_cast %select_n3A_209 : vector<512x1xf32> to vector<1x512x1xf32>
      %reduce_sum3A_211 = arith.constant dense<0.000000e+00> : vector<1xf32>
      %reduce_sum3A_212 = vector.multi_reduction <add>, %reduce_sum3A_210, %reduce_sum3A_211 [1, 2] : vector<1x512x1xf32> to vector<1xf32>
      %reduce_sum3A_213 = vector.shape_cast %reduce_sum3A_212 : vector<1xf32> to vector<1x1x1xf32>
      %reduce_sum3A_214 = vector.extract %reduce_sum3A_213[0, 0, 0] : f32 from vector<1x1x1xf32>
      %get3A_215 = arith.index_cast %while3A_183 : i32 to index
      %get3A_216 = arith.constant 0 : index
      %get3A_217 = vector.load %arg11[%get3A_215, %get3A_216] : memref<8x128xf32, #tpu.memory_space<vmem>>, vector<1x128xf32>
      %max3A = arith.maximumf %get3A_217, %broadcast_in_dim3A_197 : vector<1x128xf32>
      %swap3A = arith.index_cast %while3A_183 : i32 to index
      %swap3A_218 = arith.constant 0 : index
      %swap3A_219 = vector.load %arg11[%swap3A, %swap3A_218] : memref<8x128xf32, #tpu.memory_space<vmem>>, vector<1x128xf32>
      tpu.vector_store %arg11[%swap3A, %swap3A_218], %max3A {strides = array<i32>} : memref<8x128xf32, #tpu.memory_space<vmem>>, vector<1x128xf32>,
      %get3A_220 = arith.index_cast %while3A_183 : i32 to index
      %get3A_221 = arith.constant 0 : index
      %get3A_222 = vector.load %arg12[%get3A_220, %get3A_221] : memref<8x128xf32, #tpu.memory_space<vmem>>, vector<1x128xf32>
      %add3A_223 = arith.addf %get3A_222, %broadcast_in_dim3A_204 : vector<1x128xf32>
      %swap3A_224 = arith.index_cast %while3A_183 : i32 to index
      %swap3A_225 = arith.constant 0 : index
      %swap3A_226 = vector.load %arg12[%swap3A_224, %swap3A_225] : memref<8x128xf32, #tpu.memory_space<vmem>>, vector<1x128xf32>
      tpu.vector_store %arg12[%swap3A_224, %swap3A_225], %add3A_223 {strides = array<i32>} : memref<8x128xf32, #tpu.memory_space<vmem>>, vector<1x128xf32>,
      %get3A_227 = arith.index_cast %while3A_183 : i32 to index
      %get3A_228 = arith.constant 0 : index
      %get3A_229 = vector.load %arg13[%get3A_227, %get3A_228] : memref<8x128xf32, #tpu.memory_space<vmem>>, vector<1x128xf32>
      %add3A_230 = vector.broadcast %reduce_sum3A_214 : f32 to vector<1x128xf32>
      %add3A_231 = arith.addf %get3A_229, %add3A_230 : vector<1x128xf32>
      %swap3A_232 = arith.index_cast %while3A_183 : i32 to index
      %swap3A_233 = arith.constant 0 : index
      %swap3A_234 = vector.load %arg13[%swap3A_232, %swap3A_233] : memref<8x128xf32, #tpu.memory_space<vmem>>, vector<1x128xf32>
      tpu.vector_store %arg13[%swap3A_232, %swap3A_233], %add3A_231 {strides = array<i32>} : memref<8x128xf32, #tpu.memory_space<vmem>>, vector<1x128xf32>,
    }
    %while3A_177 = arith.constant 1 : i32
    scf.for %while3A_183 = %while3A_175 to %while3A_171 step %while3A_177  : i32 {
      %convert_element_type3A_184 = arith.sitofp %while3A_183 : i32 to f32
      %gt3A_185 = arith.constant 5.000000e-01 : f32
      %gt3A_186 = vector.broadcast %gt3A_185 : f32 to vector<512x1xf32>
      %gt3A_187 = arith.cmpf ogt, %concatenate3A_107, %gt3A_186 : vector<512x1xf32>
      %sub3A = vector.broadcast %convert_element_type3A_184 : f32 to vector<512x1xf32>
      %sub3A_188 = arith.subf %concatenate3A_153, %sub3A : vector<512x1xf32>
      %abs3A = math.absf %sub3A_188 : vector<512x1xf32>
      %lt3A = arith.constant 5.000000e-01 : f32
      %lt3A_189 = vector.broadcast %lt3A : f32 to vector<512x1xf32>
      %lt3A_190 = arith.cmpf olt, %abs3A, %lt3A_189 : vector<512x1xf32>
      %and3A = arith.andi %gt3A_187, %lt3A_190 : vector<512x1xi1>
      %broadcast_in_dim3A_191 = vector.shape_cast %and3A : vector<512x1xi1> to vector<512x1xi1>
      %broadcast_in_dim3A_192 = vector.broadcast %broadcast_in_dim3A_191 : vector<512x1xi1> to vector<512x128xi1>
      %broadcast_in_dim3A_193 = vector.broadcast %while3A_169 : f32 to vector<512x128xf32>
      %select_n3A_194 = arith.select %broadcast_in_dim3A_192, %mul3A_158, %broadcast_in_dim3A_193 : vector<512x128xi1>, vector<512x128xf32>
      %reduce_max3A_195 = arith.constant dense<0xFF800000> : vector<128xf32>
      %reduce_max3A_196 = vector.multi_reduction <maximumf>, %select_n3A_194, %reduce_max3A_195 [0] : vector<512x128xf32> to vector<128xf32>
      %broadcast_in_dim3A_197 = vector.shape_cast %reduce_max3A_196 : vector<128xf32> to vector<1x128xf32>
      %jit3A_198 = arith.constant 0.000000e+00 : f32
      %broadcast_in_dim3A_199 = vector.shape_cast %and3A : vector<512x1xi1> to vector<512x1xi1>
      %broadcast_in_dim3A_200 = vector.broadcast %broadcast_in_dim3A_199 : vector<512x1xi1> to vector<512x128xi1>
      %broadcast_in_dim3A_201 = vector.broadcast %jit3A_198 : f32 to vector<512x128xf32>
      %select_n3A_202 = arith.select %broadcast_in_dim3A_200, %mul3A_158, %broadcast_in_dim3A_201 : vector<512x128xi1>, vector<512x128xf32>
      %reduce_sum3A = arith.constant dense<0.000000e+00> : vector<128xf32>
      %reduce_sum3A_203 = vector.multi_reduction <add>, %select_n3A_202, %reduce_sum3A [0] : vector<512x128xf32> to vector<128xf32>
      %broadcast_in_dim3A_204 = vector.shape_cast %reduce_sum3A_203 : vector<128xf32> to vector<1x128xf32>
      %jit3A_205 = arith.constant 1.000000e+00 : f32
      %jit3A_206 = arith.constant 0.000000e+00 : f32
      %broadcast_in_dim3A_207 = vector.broadcast %jit3A_205 : f32 to vector<512x1xf32>
      %broadcast_in_dim3A_208 = vector.broadcast %jit3A_206 : f32 to vector<512x1xf32>
      %select_n3A_209 = arith.select %and3A, %broadcast_in_dim3A_207, %broadcast_in_dim3A_208 : vector<512x1xi1>, vector<512x1xf32>
      %reduce_sum3A_210 = vector.shape_cast %select_n3A_209 : vector<512x1xf32> to vector<1x512x1xf32>
      %reduce_sum3A_211 = arith.constant dense<0.000000e+00> : vector<1xf32>
      %reduce_sum3A_212 = vector.multi_reduction <add>, %reduce_sum3A_210, %reduce_sum3A_211 [1, 2] : vector<1x512x1xf32> to vector<1xf32>
      %reduce_sum3A_213 = vector.shape_cast %reduce_sum3A_212 : vector<1xf32> to vector<1x1x1xf32>
      %reduce_sum3A_214 = vector.extract %reduce_sum3A_213[0, 0, 0] : f32 from vector<1x1x1xf32>
      %get3A_215 = arith.index_cast %while3A_183 : i32 to index
      %get3A_216 = arith.constant 0 : index
      %get3A_217 = vector.load %arg11[%get3A_215, %get3A_216] : memref<8x128xf32, #tpu.memory_space<vmem>>, vector<1x128xf32>
      %max3A = arith.maximumf %get3A_217, %broadcast_in_dim3A_197 : vector<1x128xf32>
      %swap3A = arith.index_cast %while3A_183 : i32 to index
      %swap3A_218 = arith.constant 0 : index
      %swap3A_219 = vector.load %arg11[%swap3A, %swap3A_218] : memref<8x128xf32, #tpu.memory_space<vmem>>, vector<1x128xf32>
      tpu.vector_store %arg11[%swap3A, %swap3A_218], %max3A {strides = array<i32>} : memref<8x128xf32, #tpu.memory_space<vmem>>, vector<1x128xf32>,
      %get3A_220 = arith.index_cast %while3A_183 : i32 to index
      %get3A_221 = arith.constant 0 : index
      %get3A_222 = vector.load %arg12[%get3A_220, %get3A_221] : memref<8x128xf32, #tpu.memory_space<vmem>>, vector<1x128xf32>
      %add3A_223 = arith.addf %get3A_222, %broadcast_in_dim3A_204 : vector<1x128xf32>
      %swap3A_224 = arith.index_cast %while3A_183 : i32 to index
      %swap3A_225 = arith.constant 0 : index
      %swap3A_226 = vector.load %arg12[%swap3A_224, %swap3A_225] : memref<8x128xf32, #tpu.memory_space<vmem>>, vector<1x128xf32>
      tpu.vector_store %arg12[%swap3A_224, %swap3A_225], %add3A_223 {strides = array<i32>} : memref<8x128xf32, #tpu.memory_space<vmem>>, vector<1x128xf32>,
      %get3A_227 = arith.index_cast %while3A_183 : i32 to index
      %get3A_228 = arith.constant 0 : index
      %get3A_229 = vector.load %arg13[%get3A_227, %get3A_228] : memref<8x128xf32, #tpu.memory_space<vmem>>, vector<1x128xf32>
      %add3A_230 = vector.broadcast %reduce_sum3A_214 : f32 to vector<1x128xf32>
      %add3A_231 = arith.addf %get3A_229, %add3A_230 : vector<1x128xf32>
      %swap3A_232 = arith.index_cast %while3A_183 : i32 to index
      %swap3A_233 = arith.constant 0 : index
      %swap3A_234 = vector.load %arg13[%swap3A_232, %swap3A_233] : memref<8x128xf32, #tpu.memory_space<vmem>>, vector<1x128xf32>
      tpu.vector_store %arg13[%swap3A_232, %swap3A_233], %add3A_231 {strides = array<i32>} : memref<8x128xf32, #tpu.memory_space<vmem>>, vector<1x128xf32>,
    }
    %eq3A_178 = arith.constant 19 : i32
    %eq3A_179 = arith.cmpi eq, %arg0, %eq3A_178 : i32
    %convert_element_type3A_180 = arith.extui %eq3A_179 : i1 to i32
    %cond3A_181 = arith.constant 0 : i32
    %cond3A_182 = arith.cmpi ne, %convert_element_type3A_180, %cond3A_181 : i32
    scf.if %cond3A_182 {
      %get3A_183 = arith.constant 0 : index
      %get3A_184 = arith.constant 0 : index
      %get3A_185 = vector.load %arg11[%get3A_183, %get3A_184] : memref<8x128xf32, #tpu.memory_space<vmem>>, vector<8x128xf32>
      %swap3A = arith.constant 0 : index
      %swap3A_186 = arith.constant 0 : index
      %swap3A_187 = vector.load %arg8[%swap3A, %swap3A_186] : memref<8x256xf32, #tpu.memory_space<vmem>>, vector<8x128xf32>
      tpu.vector_store %arg8[%swap3A, %swap3A_186], %get3A_185 {strides = array<i32>} : memref<8x256xf32, #tpu.memory_space<vmem>>, vector<8x128xf32>,
      %get3A_188 = arith.constant 0 : index
      %get3A_189 = arith.constant 0 : index
      %get3A_190 = vector.load %arg12[%get3A_188, %get3A_189] : memref<8x128xf32, #tpu.memory_space<vmem>>, vector<8x128xf32>
      %get3A_191 = arith.constant 0 : index
      %get3A_192 = arith.constant 0 : index
      %get3A_193 = vector.load %arg13[%get3A_191, %get3A_192] : memref<8x128xf32, #tpu.memory_space<vmem>>, vector<8x128xf32>
      %max3A = arith.constant 1.000000e+00 : f32
      %max3A_194 = vector.broadcast %max3A : f32 to vector<8x128xf32>
      %max3A_195 = arith.maximumf %get3A_193, %max3A_194 : vector<8x128xf32>
      %div3A = arith.divf %get3A_190, %max3A_195 : vector<8x128xf32>
      %swap3A_196 = arith.constant 0 : index
      %swap3A_197 = arith.constant 128 : index
      %swap3A_198 = vector.load %arg8[%swap3A_196, %swap3A_197] : memref<8x256xf32, #tpu.memory_space<vmem>>, vector<8x128xf32>
      tpu.vector_store %arg8[%swap3A_196, %swap3A_197], %div3A {strides = array<i32>} : memref<8x256xf32, #tpu.memory_space<vmem>>, vector<8x128xf32>,
    } else {
    }
    return
  }
  func.func @transform_0(%arg0: i32) -> (i32, i32, i32) {
    %c0_i32 = arith.constant 0 : i32
    %c0_i32_0 = arith.constant 0 : i32
    %c0_i32_1 = arith.constant 0 : i32
    %c0_i32_2 = arith.constant 0 : i32
    return %c0_i32, %c0_i32_0, %c0_i32_1 : i32, i32, i32
  }
  func.func @transform_1(%arg0: i32) -> (i32, i32) {
    %c0_i32 = arith.constant 0 : i32
    %c0_i32_0 = arith.constant 0 : i32
    %c0_i32_1 = arith.constant 0 : i32
    return %c0_i32, %c0_i32_0 : i32, i32
  }
  func.func @transform_2(%arg0: i32) -> (i32, i32) {
    %c0_i32 = arith.constant 0 : i32
    %c0_i32_0 = arith.constant 0 : i32
    %c0_i32_1 = arith.constant 0 : i32
    return %c0_i32, %c0_i32_0 : i32, i32
  }
  func.func @transform_3(%arg0: i32) -> (i32, i32) {
    %c0_i32 = arith.constant 0 : i32
    %c0_i32_0 = arith.constant 0 : i32
    %c0_i32_1 = arith.constant 0 : i32
    return %c0_i32, %c0_i32_0 : i32, i32
  }
  func.func @transform_4(%arg0: i32) -> (i32, i32) {
    %c0_i32 = arith.constant 0 : i32
    %c0_i32_0 = arith.constant 0 : i32
    %c0_i32_1 = arith.constant 0 : i32
    return %c0_i32, %c0_i32_0 : i32, i32
  }
  func.func @transform_5(%arg0: i32) -> (i32, i32) {
    %c0_i32 = arith.constant 0 : i32
    %c0_i32_0 = arith.constant 0 : i32
    return %arg0, %c0_i32 : i32, i32
  }
  func.func @transform_6(%arg0: i32) -> (i32, i32) {
    %c0_i32 = arith.constant 0 : i32
    %c0_i32_0 = arith.constant 0 : i32
    %c0_i32_1 = arith.constant 0 : i32
    return %c0_i32, %c0_i32_0 : i32, i32
  }
  func.func @transform_7(%arg0: i32) -> (i32, i32) {
    %c0_i32 = arith.constant 0 : i32
    %c0_i32_0 = arith.constant 0 : i32
    %c0_i32_1 = arith.constant 0 : i32
    return %c0_i32, %c0_i32_0 : i32, i32
  }
}

module attributes {stable_mosaic.version = 14 : i64} {
  func.func @_mv_body(%arg0: memref<10000x128xf32, #tpu.memory_space<vmem>>, %arg1: memref<128x1xf32, #tpu.memory_space<vmem>>, %arg2: memref<80x128xf32, #tpu.memory_space<vmem>>) attributes {dimension_semantics = [], scalar_prefetch = 0 : i64, scratch_operands = 0 : i64, tpu.core_type = #tpu.core_type<tc>} {
    %get3A = arith.constant 0 : index
    %get3A_0 = arith.constant 0 : index
    %get3A_1 = vector.load %arg0[%get3A, %get3A_0] : memref<10000x128xf32, #tpu.memory_space<vmem>>, vector<10000x128xf32>
    %get3A_2 = arith.constant 0 : index
    %get3A_3 = arith.constant 0 : index
    %get3A_4 = vector.load %arg1[%get3A_2, %get3A_3] : memref<128x1xf32, #tpu.memory_space<vmem>>, vector<128x1xf32>
    %dot_general3A = arith.constant dense<0.000000e+00> : vector<10000x1xf32>
    %dot_general3A_5 = tpu.matmul %get3A_1, %get3A_4, %dot_general3A {dimension_numbers = #tpu.dot_dimension_numbers<[1], [0], [0], [1], [0, 0, 1, 1], [], []>, transpose_lhs_hint = false} : vector<10000x128xf32>, vector<128x1xf32>, vector<10000x1xf32> -> vector<10000x1xf32>
    %broadcast_in_dim3A = arith.constant 0.000000e+00 : f32
    %broadcast_in_dim3A_6 = vector.broadcast %broadcast_in_dim3A : f32 to vector<240x1xf32>
    %concatenate3A = tpu.concatenate %dot_general3A_5, %broadcast_in_dim3A_6 in 0 : vector<10000x1xf32>, vector<240x1xf32> -> vector<10240x1xf32>
    %reshape3A = vector.shape_cast %concatenate3A : vector<10240x1xf32> to vector<80x128xf32>
    %swap3A = arith.constant 0 : index
    %swap3A_7 = arith.constant 0 : index
    %swap3A_8 = vector.load %arg2[%swap3A, %swap3A_7] : memref<80x128xf32, #tpu.memory_space<vmem>>, vector<80x128xf32>
    tpu.vector_store %arg2[%swap3A, %swap3A_7], %reshape3A {strides = array<i32>} : memref<80x128xf32, #tpu.memory_space<vmem>>, vector<80x128xf32>,
    return
  }
}

</mosaic_0001>

<sc_bundles>
// kernel: kernel.6.cloned.1.call-start
scs
__scs_entry_jumppad:
0x0: {  	(pc) =	sbr.rel $0x88, $3  }
0x1: {  	(tag) =	ssettag $0x0;
	lr =	simm.s32 $0x1  }
0x2: {  	[smem:$0x3F9C] =	sst lr;
	_ =	strace $0xD0000000  }
0x3: {  	_ = 	snop  }
0x4: {  	_ = 	snop  }
0x5: {  	_ = 	snop  }
0x6: {  	_ = 	snop  }
0x7: {  	_ = 	snop  }
__scs_overlays_trampoline_lowered:
0x8: {  	[smem:$0x3FAB] =	sst s0  }
0x9: {  	[smem:$0x3FAC] =	sst s1  }
0xa: {  	[smem:$0x3FAD] =	sst s2  }
0xb: {  	[smem:$0x3FAE] =	sst s3  }
0xc: {  	[smem:$0x3FAF] =	sst s4  }
0xd: {  	[smem:$0x3FB0] =	sst s5  }
0xe: {  	[smem:$0x3FB1] =	sst s6  }
0xf: {  	[smem:$0x3FB2] =	sst s7  }
0x10: {  	[smem:$0x3FB3] =	sst s8  }
0x11: {  	[smem:$0x3FB4] =	sst s9;
	s0 =	simm.s32 @!p0 $0x0  }
0x12: {  	s1 =	sld [smem:$0x3F9A];
	s0 =	simm.s32 @p0 $0x1  }
0x13: {  	[smem:$0x3FB5] =	sst s0;
	s0 =	simm.s32 @!p1 $0x0  }
0x14: {  	s2 =	sld [smem:$0x3F99];
	s0 =	simm.s32 @p1 $0x1  }
0x15: {  	[smem:$0x3FB6] =	sst s0;
	s0 =	simm.s32 @!p2 $0x0  }
0x16: {  	s3 =	sld [smem:$0x3FDB];
	s0 =	simm.s32 @p2 $0x1  }
0x17: {  	s4 =	simm.s32 $0x1BF5;
	[smem:$0x3FB8] =	sst s0  }
0x18: {  	s0 =	sld [smem:$0x3F9B];
	_ =	swait.ge [sflag:s4], $0x0  }
0x19: {  	s7 =	sld [smem:$0x3F9C]  }
0x1a: {  	s8 =	sadd.s32 $0xFFFFE003, lr  }
0x1b: {  	s9 =	sadd.s32 $0xFFFFFEF7, lr;
	s5 =	simm.s32 $0xFFFFFFFF;
	p2 =	slt.u32 s8, $0xFFFFF086  }
0x1c: {  	p1 =	slt.u32 s9, $0xF7A;
	s5 =	simm.s32 @!p2 $0x0  }
0x1d: {  	s5 =	simm.s32 @p1 $0x1;
	p0 =	seq.s32 s7, s2  }
0x1e: {  	s7 =	smul.u32 @!p0 $0xF7A, s2;
	p2 =	seq.s32 @!p0 s5, $0x0  }
0x1f: {  	s9 =	smul.u32 $0xF7A, s1;
	s8 =	simm.s32 @!p0 $0x1BF5;
	p2 =	por !p2, p0  }
0x20: {  	[sflag:s8] =	ssyncset.s32 @!p0 $0xFFFFF086;
	s6 =	sadd.s32 @!p0 s3, s7;
	s7 =	simm.s32 @!p0 $0x108  }
0x21: {  	s3 =	sadd.s32 s3, s9;
	s6 =	sadd.s32 @!p0 $0x88, s6;
	s7 =	simm.s32 @p2 $0x1082  }
0x22: {  	[simem:s7], [sflag:s8] =	dma.local @!p0 [hbm:s6], $0xF7A  }
0x23: {  	s9 =	sor.u32 $0xD0000000, s2;
	s6 =	simm.s32 $0x108;
	_ =	swait.ge @!p0 [sflag:s8], $0x0  }
0x24: {  	s3 =	sadd.s32 $0x88, s3;
	s6 =	simm.s32 @!p1 $0x1082;
	[sflag:s4] =	ssyncset.s32 $0xFFFFF086  }
0x25: {  	[simem:s6], [sflag:s4] =	dma.local [hbm:s3], $0xF7A  }
0x26: {  	[smem:$0x3F9C] =	sst s1;
	(tag) =	ssettag s2;
	_ =	strace s9  }
0x27: {  	s1 =	sld [smem:$0x3FAC]  }
0x28: {  	s2 =	sld [smem:$0x3FAD]  }
0x29: {  	s4 =	sld [smem:$0x3FAF]  }
0x2a: {  	p0 =	seq.s32 s5, $0x0;
	s5 =	sld [smem:$0x3FB0]  }
0x2b: {  	s6 =	sld [smem:$0x3FB1]  }
0x2c: {  	s7 =	sld [smem:$0x3FB2]  }
0x2d: {  	s3 =	simm.s32 $0x108;
	s8 =	sld [smem:$0x3FB3]  }
0x2e: {  	s3 =	simm.s32 @!p0 $0x1082;
	s9 =	sld [smem:$0x3FB4]  }
0x2f: {  	lr =	sadd.s32 s0, s3;
	s0 =	sld [smem:$0x3FAB]  }
0x30: {  	s3 =	sld [smem:$0x3FAE]  }
0x31: {  	[smem:$0x3FB7] =	sst s10  }
0x32: {  	s10 =	sld [smem:$0x3FB5];
	_ =	sdelay $0x3  }
0x33: {  	p0 =	seq.s32 s10, $0x1;
	s10 =	sld [smem:$0x3FB7];
	_ =	sdelay $0x3  }
0x34: {  	[smem:$0x3FB7] =	sst s10  }
0x35: {  	s10 =	sld [smem:$0x3FB6];
	_ =	sdelay $0x3  }
0x36: {  	p1 =	seq.s32 s10, $0x1;
	s10 =	sld [smem:$0x3FB7];
	_ =	sdelay $0x3  }
0x37: {  	[smem:$0x3FB7] =	sst s10  }
0x38: {  	s10 =	sld [smem:$0x3FB8]  }
0x39: {  	_ = 	snop;
	(pc) =	sbr.ind lr, $3  }
0x3a: {  	_ = 	snop  }
0x3b: {  	_ = 	snop  }
0x3c: {  	p2 =	seq.s32 s10, $0x1;
	s10 =	sld [smem:$0x3FB7]  }
0x3d: {  	_ =	shalt  }
0x3e: {  	_ =	shalt  }
0x3f: {  	_ =	shalt  }
0x40: {  	_ =	shalt  }
0x41: {  	_ =	shalt  }
0x42: {  	_ =	shalt  }
0x43: {  	_ =	shalt  }
0x44: {  	_ =	shalt  }
0x45: {  	_ =	shalt  }
0x46: {  	_ =	shalt  }
0x47: {  	_ =	shalt  }
0x48: {  	_ =	shalt  }
0x49: {  	_ =	shalt  }
0x4a: {  	_ =	shalt  }
0x4b: {  	_ =	shalt  }
0x4c: {  	_ =	shalt  }
0x4d: {  	_ =	shalt  }
0x4e: {  	_ =	shalt  }
0x4f: {  	_ =	shalt  }
0x50: {  	_ =	shalt  }
0x51: {  	_ =	shalt  }
0x52: {  	_ =	shalt  }
0x53: {  	_ =	shalt  }
0x54: {  	_ =	shalt  }
0x55: {  	_ =	shalt  }
0x56: {  	_ =	shalt  }
0x57: {  	_ =	shalt  }
0x58: {  	_ =	shalt  }
0x59: {  	_ =	shalt  }
0x5a: {  	_ =	shalt  }
0x5b: {  	_ =	shalt  }
0x5c: {  	_ =	shalt  }
0x5d: {  	_ =	shalt  }
0x5e: {  	_ =	shalt  }
0x5f: {  	_ =	shalt  }
0x60: {  	_ =	shalt  }
0x61: {  	_ =	shalt  }
0x62: {  	_ =	shalt  }
0x63: {  	_ =	shalt  }
0x64: {  	_ =	shalt  }
0x65: {  	_ =	shalt  }
0x66: {  	_ =	shalt  }
0x67: {  	_ =	shalt  }
0x68: {  	_ =	shalt  }
0x69: {  	_ =	shalt  }
0x6a: {  	_ =	shalt  }
0x6b: {  	_ =	shalt  }
0x6c: {  	_ =	shalt  }
0x6d: {  	_ =	shalt  }
0x6e: {  	_ =	shalt  }
0x6f: {  	_ =	shalt  }
0x70: {  	_ =	shalt  }
0x71: {  	_ =	shalt  }
0x72: {  	_ =	shalt  }
0x73: {  	_ =	shalt  }
0x74: {  	_ =	shalt  }
0x75: {  	_ =	shalt  }
0x76: {  	_ =	shalt  }
0x77: {  	_ =	shalt  }
0x78: {  	_ =	shalt  }
0x79: {  	_ =	shalt  }
0x7a: {  	_ =	shalt  }
0x7b: {  	_ =	shalt  }
0x7c: {  	_ =	shalt  }
0x7d: {  	_ =	shalt  }
0x7e: {  	_ =	shalt  }
0x7f: {  	_ =	shalt  }
0x80: {  	_ =	shalt  }
0x81: {  	_ =	shalt  }
0x82: {  	_ =	shalt  }
0x83: {  	_ =	shalt  }
0x84: {  	_ =	shalt  }
0x85: {  	_ =	shalt  }
0x86: {  	_ =	shalt  }
0x87: {  	_ =	shalt  }
.Lfunc_end0:
.L_simem_size_0:
called_computation_lowered:
.L_overlay_start_0:
0x88: {  	s2 =	sld [smem:$0x3FD9]  }
0x89: {  	s3 =	sld [smem:$0x3FFE];
	_ =	sdelay $0x1  }
0x8a: {  	s1 =	srdreg.scid  }
0x8b: {  	s0 =	sand.u32 $0x1, s1  }
0x8c: {  	s16 =	sshll.u32 s0, $0xA;
	s2 =	sadd.s32 s3, s2  }
0x8d: {  	s2 =	sadd.s32 s2, s16  }
0x8e: {  	[smem:$0x3FC3] =	sst s2  }
0x8f: {  	_ = 	snop  }
0x90: {  	(tm) =	ssettm $0x1  }
0x91: {  	s17 =	sld [smem:$0x3FFB];
	_ =	sdelay $0x3  }
0x92: {  	_ =	strace s17  }
0x93: {  	s2 =	sld [smem:$0x3FFC];
	_ =	sdelay $0x3  }
0x94: {  	_ =	strace s2  }
0x95: {  	s2 =	sld [smem:$0x3FFD];
	_ =	sdelay $0x3  }
0x96: {  	_ =	strace s2  }
0x97: {  	_ =	strace $0x8FFFFFFF  }
0x98: {  	s18 =	sld [smem:$0x3FDB];
	_ =	sdelay $0x1  }
0x99: {  	s19 =	simm.s32 $_scs_section_size  }
0x9a: {  	s4 =	simm.s32 $_size__tile_overlayer_lowered;
	s5 =	simm.s32 $_tile_overlayer_lowered  }
0x9b: {  	s22 =	simm.s32 $0x1BFF;
	s21 =	sshll.u32 s5, $0x1;
	s2 =	sadd.s32 s19, s18  }
0x9c: {  	s6 =	simm.s32 $0x0;
	s20 =	sshll.u32 s4, $0x1;
	s4 =	sadd.s32 s21, s2  }
0x9d: {  	[timem:s6], [sflag:s22] =	dma.local [hbm:s4], s20  }
0x9e: {  	_ =	swait.ge [sflag:s22], s20  }
0x9f: {  	s3 =	ssub.s32 $0x0, s20;
	[sflag:s22] =	ssyncset.done $0x0  }
0xa0: {  	[sflag:s22] =	ssyncadd.s32 s3;
	_ =	sdelay $0x1  }
0xa1: {  	s23 =	simm.s32 $0x1B8B  }
0xa2: {  	_ =	swait.ge [sflag:s23], $0x1  }
0xa3: {  	[sflag:s23] =	ssyncset.done $0x0  }
0xa4: {  	s25 =	simm.s32 $0x1B8E;
	s24 =	sld [smem:$0x3FFE];
	[sflag:s23] =	ssyncadd.s32 $0xFFFFFFFF  }
0xa5: {  	s26 =	simm.s32 $execute0_lowered;
	[smem:$0x3FD2] =	sst s25  }
0xa6: {  	s4 =	sshll.u32 s26, $0x1;
	_ =	strace $0x80000046;
	[dreg:$0x1] =	wrdreg $0xFFFFFFFF  }
0xa7: {  	s28 =	simm.s32 $_size_execute0_lowered;
	s2 =	sadd.s32 s2, s4;
	[dreg:$0x0] =	wrdreg $0x0  }
0xa8: {  	s4 =	sshll.u32 s28, $0x1;
	[dreg:$0x2] =	wrdreg s2  }
0xa9: {  	[dreg:$0x3] =	wrdreg s4  }
0xaa: {  	[dreg:$0x4] =	wrdreg $0xC0  }
0xab: {  	_ =	task [dreg:s6], $0x5FFFF  }
0xac: {  	[dreg:$0x1] =	wrdreg $0xFFFFFFFF  }
0xad: {  	[dreg:$0x0] =	wrdreg $0x60  }
0xae: {  	[dreg:$0x2] =	wrdreg s24  }
0xaf: {  	[dreg:$0x3] =	wrdreg $0x4F000  }
0xb0: {  	[dreg:$0x4] =	wrdreg $0x9  }
0xb1: {  	_ =	task.clear_ibuf [dreg:s6], $0x5FFFF;
	_ =	strace $0x90000046  }
0xb2: {  	s29 =	simm.s32 $0x9;
	_ =	strace $0x80000048  }
0xb3: {  	_ =	swait.ge [sflag:s29], $0x1  }
0xb4: {  	[sflag:s29] =	ssyncadd.s32 $0xFFFFFFFF  }
0xb5: {  	_ =	strace $0x90000048  }
0xb6: {  	_ =	sfence  }
0xb7: {  	s30 =	sld [smem:$0x0];
	_ =	sdelay $0x2  }
0xb8: {  	s31 =	sshll.u32 s1, $0xD;
	s1 =	sshrl.u32 s1, $0x2  }
0xb9: {  	s3 =	sand.u32 $0x4000, s31;
	s1 =	sadd.s32 s1, s30  }
0xba: {  	s0 =	sor.u32 s3, s0;
	s1 =	sshll.u32 s1, $0x11  }
0xbb: {  	s0 =	sor.u32 s1, s0  }
0xbc: {  	s0 =	sadd.s32 $0x8F2B, s0  }
0xbd: {  	[sflag:s0] =	ssyncadd.remote.s32 $0x1  }
0xbe: {  	_ =	sfence.sel $0xFFFF  }
0xbf: {  	[dreg:$0x0] =	wrdreg $0xFFFFFFFF;
	(pc) =	sbr.abs _section_cstart, $3  }
0xc0: {  	[dreg:$0x1] =	wrdreg $0xFFFFFFFF  }
0xc1: {  	_ =	task.clear_ibuf [dreg:s6], $0x2FFFF;
	_ =	strace $0x9FFFFFFF  }
0xc2: {  	(tm) =	ssettm $0x7FFFFFFF  }
0xc3: {  	_ =	shalt  }
tec
execute0_lowered:
.L_overlay_start_1:
0x0: {  	(tag) =	ssettag $0x1  }
0x1: {  	s4 =	rddreg [dreg:$0x0]  }
0x2: {  	s1 =	rddreg [dreg:$0x1];
	s2 =	srdreg.scid  }
0x3: {  	s0 =	rddreg [dreg:$0x2];
	s5 =	sand.u32 $0x1, s2  }
0x4: {  	s8 =	stileid.u32;
	s7 =	sshll.u32 s5, $0x4;
	s5 =	ssub.s32 $0x2, s5  }
0x5: {  	s12 =	simm.s32 $0x400;
	p1 =	por $0x0, $0x0;
	s11 =	sshrl.u32 s5, $0x1  }
0x6: {  	s2 =	simm.s32 $0x0;
	s3 =	sadd.s32 $0x16200, s4;
	s5 =	ssub.s32 s5, s11  }
0x7: {  	s10 =	sshll.u32 s8, $0x7;
	s6 =	sor.u32 s8, s7;
	s31 =	smax.u32 s5, $0x1  }
0x8: {  	s30 =	sadd.s32 $0xBE00, s4;
	s6 =	sshrl.u32 s6, $0x3;
	s15 =	sadd.s32 $0xFFFFFFFF, s31  }
0x9: {  	p0 =	sne.s32 s8, $0x0;
	s9 =	smul.u32 $0x13C00, s6;
	p2 =	sne.s32 s15, $0x0  }
.Ltmp0:
0xa: {  	[smem:$0x7FF] =	sst s2;
	s10 =	sand.u32 $0x380, s10;
	(pc) =	sbr.rel @!p2 .LBB2_3-.Ltmp0, $4  }
0xb: {  	_ =	strace $0x80000047;
	s7 =	sadd.s32 s7, s4;
	s8 =	simm.s32 $0x2780  }
0xc: {  	s11 =	simm.s32 $0x80;
	s6 =	sadd.s32 $0x15C00, s4;
	s9 =	sor.u32 s10, s9  }
0xd: {  	s4 =	sadd.s32 $0x16800, s7;
	s5 =	sshrl.u32 @!p0 s1, $0x3;
	s9 =	sshrl.u32 s9, $0x3  }
0xe: {  	s7 =	simm.s32 $0x1;
	s10 =	sadd.s32 s9, s30;
	s9 =	simm.s32 $0x2710  }
0xf: {  	s14 =	simm.s32 @!p0 $0x1C01;
	s13 =	simm.s32 @!p0 $0x1  }
0x10: {  	[spmem:s5], [sflag:s14] =	dma.local @!p0 [hbm:s6], $0x500  }
0x11: {  	_ =	swait.ge @!p0 [sflag:s13], $0x500  }
0x12: {  	[sflag:s13] =	ssyncset.done @!p0 $0x0  }
0x13: {  	[sflag:s13] =	ssyncadd.s32 @!p0 $0xFFFFFB00  }
0x14: {  	[tilespmem:s2], [sflag:$0x1] =	stream.strided.gather [hbm4b:s10+s11], $0x2780, s12, s11, $0x38;
	[tilespmem:$0x5180] =	vst v63  }
0x15: {  	_ =	swait.ge [sflag:s7], $0x2780  }
0x16: {  	[sflag:s7] =	ssyncset.done $0x0  }
0x17: {  	[sflag:s7] =	ssyncadd.s32 $0xFFFFD880  }
0x18: {  	[tilespmem:s8], [sflag:$0x1] =	stream.linear.gather [hbm4b:s3+s2], $0x2780, $0x38;
	[tilespmem:$0x5180] =	vst v63  }
0x19: {  	_ =	swait.ge [sflag:s7], $0x2780  }
0x1a: {  	[sflag:s7] =	ssyncset.done $0x0  }
0x1b: {  	[sflag:s7] =	ssyncadd.s32 $0xFFFFD880  }
0x1c: {  	[bflag:$0x0] =	sbarrier.arrive $0xFFFF  }
0x1d: {  	[spmem:s1] =	stream.indirect.scatter.add.f32 [tilespmem:s8], [sflag:$0x1], $0x1, s2, s9, $0xb8;
	[tilespmem:$0x5180] =	vst v63  }
0x1e: {  	s15 =	sadd.s32 $0xFFFFFFFF, s15;
	_ =	swait.ge [sflag:s7], $0x2710  }
0x1f: {  	p2 =	sne.s32 s15, $0x0;
	[sflag:s7] =	ssyncset.done $0x0  }
.Ltmp1:
0x20: {  	[sflag:s7] =	ssyncadd.s32 $0xFFFFD8F0;
	(pc) =	sbr.rel @!p2 .LBB2_3-.Ltmp1, $4  }
0x21: {  	s16 =	simm.s32 @!p0 $0x20;
	s17 =	simm.s32 @!p0 $0x10;
	[bflag:$0x0] =	sbarrier.arrive $0xFFFF  }
0x22: {  	[hbm:s4@s16], [sflag:s14] =	dma.strided @!p0 [spmem:s5@s17], $0x500, s13, $0x10   }
0x23: {  	_ =	swait.ge @!p0 [sflag:s13], $0x500  }
0x24: {  	p1 =	por $0x1, $0x1;
	[sflag:s13] =	ssyncset.done @!p0 $0x0  }
.LBB2_2:
0x25: {  	[sflag:s13] =	ssyncadd.s32 @!p0 $0xFFFFFB00  }
0x26: {  	[spmem:s5], [sflag:s14] =	dma.local @!p0 [hbm:s6], $0x500  }
0x27: {  	s15 =	sadd.s32 $0xFFFFFFFF, s15;
	_ =	swait.ge @!p0 [sflag:s13], $0x500  }
0x28: {  	p2 =	sne.s32 s15, $0x0;
	[sflag:s13] =	ssyncset.done @!p0 $0x0  }
0x29: {  	[sflag:s13] =	ssyncadd.s32 @!p0 $0xFFFFFB00  }
0x2a: {  	[tilespmem:s2], [sflag:$0x1] =	stream.strided.gather [hbm4b:s10+s11], $0x2780, s12, s11, $0x38;
	[tilespmem:$0x5180] =	vst v63  }
0x2b: {  	_ =	swait.ge [sflag:s7], $0x2780  }
0x2c: {  	[sflag:s7] =	ssyncset.done $0x0  }
0x2d: {  	[sflag:s7] =	ssyncadd.s32 $0xFFFFD880  }
0x2e: {  	[tilespmem:s8], [sflag:$0x1] =	stream.linear.gather [hbm4b:s3+s2], $0x2780, $0x38;
	[tilespmem:$0x5180] =	vst v63  }
0x2f: {  	_ =	swait.ge [sflag:s7], $0x2780  }
0x30: {  	[sflag:s7] =	ssyncset.done $0x0  }
0x31: {  	[sflag:s7] =	ssyncadd.s32 $0xFFFFD880  }
0x32: {  	[bflag:$0x0] =	sbarrier.arrive $0xFFFF  }
0x33: {  	[spmem:s1] =	stream.indirect.scatter.add.f32 [tilespmem:s8], [sflag:$0x1], $0x1, s2, s9, $0xb8;
	[tilespmem:$0x5180] =	vst v63  }
0x34: {  	_ =	swait.ge [sflag:s7], $0x2710  }
0x35: {  	[sflag:s7] =	ssyncset.done $0x0  }
.Ltmp2:
0x36: {  	[sflag:s7] =	ssyncadd.s32 $0xFFFFD8F0;
	(pc) =	sbr.rel @p2 .LBB2_2-.Ltmp2, $4  }
0x37: {  	[bflag:$0x0] =	sbarrier.arrive $0xFFFF  }
0x38: {  	[hbm:s4@s16], [sflag:s14] =	dma.strided @!p0 [spmem:s5@s17], $0x500, s13, $0x10   }
0x39: {  	_ =	swait.ge @!p0 [sflag:s13], $0x500  }
0x3a: {  	[sflag:s13] =	ssyncset.done @!p0 $0x0  }
.LBB2_3:
0x3b: {  	p1 =	por p0, !p1  }
0x3c: {  	s14 =	simm.s32 @!p0 $0x1C01;
	s15 =	simm.s32 @!p0 $0x1;
	[sflag:s13] =	ssyncadd.s32 @!p1 $0xFFFFFB00  }
0x3d: {  	[spmem:s5], [sflag:s14] =	dma.local @!p0 [hbm:s6], $0x500  }
0x3e: {  	_ =	swait.ge @!p0 [sflag:s15], $0x500  }
0x3f: {  	[sflag:s15] =	ssyncset.done @!p0 $0x0  }
0x40: {  	[sflag:s15] =	ssyncadd.s32 @!p0 $0xFFFFFB00  }
0x41: {  	[tilespmem:s2], [sflag:$0x1] =	stream.strided.gather [hbm4b:s10+s11], $0x2780, s12, s11, $0x38;
	[tilespmem:$0x5180] =	vst v63  }
0x42: {  	_ =	swait.ge [sflag:s7], $0x2780  }
0x43: {  	[sflag:s7] =	ssyncset.done $0x0  }
0x44: {  	[sflag:s7] =	ssyncadd.s32 $0xFFFFD880  }
0x45: {  	[tilespmem:s8], [sflag:$0x1] =	stream.linear.gather [hbm4b:s3+s2], $0x2780, $0x38;
	[tilespmem:$0x5180] =	vst v63  }
0x46: {  	_ =	swait.ge [sflag:s7], $0x2780  }
0x47: {  	[sflag:s7] =	ssyncset.done $0x0  }
0x48: {  	[sflag:s7] =	ssyncadd.s32 $0xFFFFD880  }
0x49: {  	[bflag:$0x0] =	sbarrier.arrive $0xFFFF  }
0x4a: {  	[spmem:s1] =	stream.indirect.scatter.add.f32 [tilespmem:s8], [sflag:$0x1], $0x1, s2, s9, $0xb8;
	[tilespmem:$0x5180] =	vst v63  }
0x4b: {  	_ =	swait.ge [sflag:s7], $0x2710  }
0x4c: {  	[sflag:s7] =	ssyncset.done $0x0  }
0x4d: {  	[sflag:s7] =	ssyncadd.s32 $0xFFFFD8F0  }
0x4e: {  	s1 =	simm.s32 @!p0 $0x20;
	s2 =	simm.s32 @!p0 $0x10;
	[bflag:$0x0] =	sbarrier.arrive $0xFFFF  }
0x4f: {  	[hbm:s4@s1], [sflag:s14] =	dma.strided @!p0 [spmem:s5@s2], $0x500, s15, $0x10   }
0x50: {  	_ =	swait.ge @!p0 [sflag:s15], $0x500  }
0x51: {  	[sflag:s15] =	ssyncset.done @!p0 $0x0  }
0x52: {  	[sflag:s15] =	ssyncadd.s32 @!p0 $0xFFFFFB00  }
0x53: {  	_ =	sfence.sel $0x180000  }
0x54: {  	[bflag:$0x0] =	sbarrier.arrive $0xFFFF  }
0x55: {  	_ =	strace $0x90000047  }
0x56: {  	s0 =	sadd.s32 @!p0 $0x100000, s0;
	[bflag:$0x2] =	sbarrier.arrive $0xFFFF  }
0x57: {  	[sflag:s0] =	ssyncadd.tile.s32 @!p0 $0x1;
	_ =	shalt  }
.Lfunc_end2:
_tile_overlayer_lowered:
.L_overlay_start_2:
0x58: {  	(tag) =	ssettag $0x2  }
0x59: {  	s0 =	rddreg [dreg:$0x0];
	s2 =	stileid.u32  }
0x5a: {  	s1 =	rddreg [dreg:$0x1];
	p0 =	sne.s32 s2, $0x0  }
0x5b: {  	s3 =	rddreg [dreg:$0x2];
	[bflag:$0x3] =	sbarrier.arrive $0xFFFF;
	s2 =	simm.s32 @!p0 $0x1C01  }
0x5c: {  	[timem:s3], [sflag:s2] =	dma.local @!p0 [hbm:s0], s1  }
0x5d: {  	s0 =	simm.s32 @!p0 $0x1  }
0x5e: {  	_ =	swait.ge @!p0 [sflag:s0], s1  }
0x5f: {  	s1 =	ssub.s32 @!p0 $0x0, s1;
	[sflag:s0] =	ssyncset.done @!p0 $0x0  }
0x60: {  	[sflag:s0] =	ssyncadd.s32 @!p0 s1  }
0x61: {  	[bflag:$0x3] =	sbarrier.arrive $0xFFFF  }
0x62: {  	_ =	shalt  }

// kernel: kernel.9.cloned.1.call-start
scs
__scs_entry_jumppad:
0x0: {  	(pc) =	sbr.rel $0x88, $3  }
0x1: {  	(tag) =	ssettag $0x0;
	lr =	simm.s32 $0x1  }
0x2: {  	[smem:$0x3F9C] =	sst lr;
	_ =	strace $0xD0000000  }
0x3: {  	_ = 	snop  }
0x4: {  	_ = 	snop  }
0x5: {  	_ = 	snop  }
0x6: {  	_ = 	snop  }
0x7: {  	_ = 	snop  }
__scs_overlays_trampoline_lowered:
0x8: {  	[smem:$0x3FAB] =	sst s0  }
0x9: {  	[smem:$0x3FAC] =	sst s1  }
0xa: {  	[smem:$0x3FAD] =	sst s2  }
0xb: {  	[smem:$0x3FAE] =	sst s3  }
0xc: {  	[smem:$0x3FAF] =	sst s4  }
0xd: {  	[smem:$0x3FB0] =	sst s5  }
0xe: {  	[smem:$0x3FB1] =	sst s6  }
0xf: {  	[smem:$0x3FB2] =	sst s7  }
0x10: {  	[smem:$0x3FB3] =	sst s8  }
0x11: {  	[smem:$0x3FB4] =	sst s9;
	s0 =	simm.s32 @!p0 $0x0  }
0x12: {  	s1 =	sld [smem:$0x3F9A];
	s0 =	simm.s32 @p0 $0x1  }
0x13: {  	[smem:$0x3FB5] =	sst s0;
	s0 =	simm.s32 @!p1 $0x0  }
0x14: {  	s2 =	sld [smem:$0x3F99];
	s0 =	simm.s32 @p1 $0x1  }
0x15: {  	[smem:$0x3FB6] =	sst s0;
	s0 =	simm.s32 @!p2 $0x0  }
0x16: {  	s3 =	sld [smem:$0x3FDB];
	s0 =	simm.s32 @p2 $0x1  }
0x17: {  	s4 =	simm.s32 $0x1BF5;
	[smem:$0x3FB8] =	sst s0  }
0x18: {  	s0 =	sld [smem:$0x3F9B];
	_ =	swait.ge [sflag:s4], $0x0  }
0x19: {  	s7 =	sld [smem:$0x3F9C]  }
0x1a: {  	s8 =	sadd.s32 $0xFFFFE003, lr  }
0x1b: {  	s9 =	sadd.s32 $0xFFFFFEF7, lr;
	s5 =	simm.s32 $0xFFFFFFFF;
	p2 =	slt.u32 s8, $0xFFFFF086  }
0x1c: {  	p1 =	slt.u32 s9, $0xF7A;
	s5 =	simm.s32 @!p2 $0x0  }
0x1d: {  	s5 =	simm.s32 @p1 $0x1;
	p0 =	seq.s32 s7, s2  }
0x1e: {  	s7 =	smul.u32 @!p0 $0xF7A, s2;
	p2 =	seq.s32 @!p0 s5, $0x0  }
0x1f: {  	s9 =	smul.u32 $0xF7A, s1;
	s8 =	simm.s32 @!p0 $0x1BF5;
	p2 =	por !p2, p0  }
0x20: {  	[sflag:s8] =	ssyncset.s32 @!p0 $0xFFFFF086;
	s6 =	sadd.s32 @!p0 s3, s7;
	s7 =	simm.s32 @!p0 $0x108  }
0x21: {  	s3 =	sadd.s32 s3, s9;
	s6 =	sadd.s32 @!p0 $0x88, s6;
	s7 =	simm.s32 @p2 $0x1082  }
0x22: {  	[simem:s7], [sflag:s8] =	dma.local @!p0 [hbm:s6], $0xF7A  }
0x23: {  	s9 =	sor.u32 $0xD0000000, s2;
	s6 =	simm.s32 $0x108;
	_ =	swait.ge @!p0 [sflag:s8], $0x0  }
0x24: {  	s3 =	sadd.s32 $0x88, s3;
	s6 =	simm.s32 @!p1 $0x1082;
	[sflag:s4] =	ssyncset.s32 $0xFFFFF086  }
0x25: {  	[simem:s6], [sflag:s4] =	dma.local [hbm:s3], $0xF7A  }
0x26: {  	[smem:$0x3F9C] =	sst s1;
	(tag) =	ssettag s2;
	_ =	strace s9  }
0x27: {  	s1 =	sld [smem:$0x3FAC]  }
0x28: {  	s2 =	sld [smem:$0x3FAD]  }
0x29: {  	s4 =	sld [smem:$0x3FAF]  }
0x2a: {  	p0 =	seq.s32 s5, $0x0;
	s5 =	sld [smem:$0x3FB0]  }
0x2b: {  	s6 =	sld [smem:$0x3FB1]  }
0x2c: {  	s7 =	sld [smem:$0x3FB2]  }
0x2d: {  	s3 =	simm.s32 $0x108;
	s8 =	sld [smem:$0x3FB3]  }
0x2e: {  	s3 =	simm.s32 @!p0 $0x1082;
	s9 =	sld [smem:$0x3FB4]  }
0x2f: {  	lr =	sadd.s32 s0, s3;
	s0 =	sld [smem:$0x3FAB]  }
0x30: {  	s3 =	sld [smem:$0x3FAE]  }
0x31: {  	[smem:$0x3FB7] =	sst s10  }
0x32: {  	s10 =	sld [smem:$0x3FB5];
	_ =	sdelay $0x3  }
0x33: {  	p0 =	seq.s32 s10, $0x1;
	s10 =	sld [smem:$0x3FB7];
	_ =	sdelay $0x3  }
0x34: {  	[smem:$0x3FB7] =	sst s10  }
0x35: {  	s10 =	sld [smem:$0x3FB6];
	_ =	sdelay $0x3  }
0x36: {  	p1 =	seq.s32 s10, $0x1;
	s10 =	sld [smem:$0x3FB7];
	_ =	sdelay $0x3  }
0x37: {  	[smem:$0x3FB7] =	sst s10  }
0x38: {  	s10 =	sld [smem:$0x3FB8]  }
0x39: {  	_ = 	snop;
	(pc) =	sbr.ind lr, $3  }
0x3a: {  	_ = 	snop  }
0x3b: {  	_ = 	snop  }
0x3c: {  	p2 =	seq.s32 s10, $0x1;
	s10 =	sld [smem:$0x3FB7]  }
0x3d: {  	_ =	shalt  }
0x3e: {  	_ =	shalt  }
0x3f: {  	_ =	shalt  }
0x40: {  	_ =	shalt  }
0x41: {  	_ =	shalt  }
0x42: {  	_ =	shalt  }
0x43: {  	_ =	shalt  }
0x44: {  	_ =	shalt  }
0x45: {  	_ =	shalt  }
0x46: {  	_ =	shalt  }
0x47: {  	_ =	shalt  }
0x48: {  	_ =	shalt  }
0x49: {  	_ =	shalt  }
0x4a: {  	_ =	shalt  }
0x4b: {  	_ =	shalt  }
0x4c: {  	_ =	shalt  }
0x4d: {  	_ =	shalt  }
0x4e: {  	_ =	shalt  }
0x4f: {  	_ =	shalt  }
0x50: {  	_ =	shalt  }
0x51: {  	_ =	shalt  }
0x52: {  	_ =	shalt  }
0x53: {  	_ =	shalt  }
0x54: {  	_ =	shalt  }
0x55: {  	_ =	shalt  }
0x56: {  	_ =	shalt  }
0x57: {  	_ =	shalt  }
0x58: {  	_ =	shalt  }
0x59: {  	_ =	shalt  }
0x5a: {  	_ =	shalt  }
0x5b: {  	_ =	shalt  }
0x5c: {  	_ =	shalt  }
0x5d: {  	_ =	shalt  }
0x5e: {  	_ =	shalt  }
0x5f: {  	_ =	shalt  }
0x60: {  	_ =	shalt  }
0x61: {  	_ =	shalt  }
0x62: {  	_ =	shalt  }
0x63: {  	_ =	shalt  }
0x64: {  	_ =	shalt  }
0x65: {  	_ =	shalt  }
0x66: {  	_ =	shalt  }
0x67: {  	_ =	shalt  }
0x68: {  	_ =	shalt  }
0x69: {  	_ =	shalt  }
0x6a: {  	_ =	shalt  }
0x6b: {  	_ =	shalt  }
0x6c: {  	_ =	shalt  }
0x6d: {  	_ =	shalt  }
0x6e: {  	_ =	shalt  }
0x6f: {  	_ =	shalt  }
0x70: {  	_ =	shalt  }
0x71: {  	_ =	shalt  }
0x72: {  	_ =	shalt  }
0x73: {  	_ =	shalt  }
0x74: {  	_ =	shalt  }
0x75: {  	_ =	shalt  }
0x76: {  	_ =	shalt  }
0x77: {  	_ =	shalt  }
0x78: {  	_ =	shalt  }
0x79: {  	_ =	shalt  }
0x7a: {  	_ =	shalt  }
0x7b: {  	_ =	shalt  }
0x7c: {  	_ =	shalt  }
0x7d: {  	_ =	shalt  }
0x7e: {  	_ =	shalt  }
0x7f: {  	_ =	shalt  }
0x80: {  	_ =	shalt  }
0x81: {  	_ =	shalt  }
0x82: {  	_ =	shalt  }
0x83: {  	_ =	shalt  }
0x84: {  	_ =	shalt  }
0x85: {  	_ =	shalt  }
0x86: {  	_ =	shalt  }
0x87: {  	_ =	shalt  }
.Lfunc_end0:
.L_simem_size_0:
called_computation.1_lowered:
.L_overlay_start_0:
0x88: {  	s2 =	sld [smem:$0x3FD9]  }
0x89: {  	s3 =	sld [smem:$0x3FFE];
	_ =	sdelay $0x1  }
0x8a: {  	s1 =	srdreg.scid  }
0x8b: {  	s0 =	sand.u32 $0x1, s1  }
0x8c: {  	s14 =	sshll.u32 s0, $0xA;
	s2 =	sadd.s32 s3, s2  }
0x8d: {  	s2 =	sadd.s32 s2, s14  }
0x8e: {  	[smem:$0x3FC3] =	sst s2  }
0x8f: {  	_ = 	snop  }
0x90: {  	s2 =	sld [smem:$0x3FD0];
	_ =	sdelay $0x2  }
0x91: {  	s15 =	simm.s32 $0xA;
	s4 =	simm.s32 $0x10  }
0x92: {  	[smem:s4], [sflag:s15] =	dma.local [hbm:s2], $0x1  }
0x93: {  	_ =	swait.eq [sflag:s15], $0x1  }
0x94: {  	[sflag:s15] =	ssyncset.done $0x0  }
0x95: {  	[sflag:s15] =	ssyncadd.s32 $0xFFFFFFFF  }
0x96: {  	s16 =	sld [smem:$0x11];
	(tm) =	ssettm $0x1  }
0x97: {  	s17 =	sld [smem:$0x3FFB];
	_ =	sdelay $0x3  }
0x98: {  	_ =	strace s17  }
0x99: {  	s3 =	sld [smem:$0x3FFC];
	_ =	sdelay $0x3  }
0x9a: {  	_ =	strace s3  }
0x9b: {  	s3 =	sld [smem:$0x3FFD];
	_ =	sdelay $0x3  }
0x9c: {  	_ =	strace s3  }
0x9d: {  	_ =	strace $0x8FFFFFFF  }
0x9e: {  	s18 =	sld [smem:$0x3FDB];
	_ =	sdelay $0x1  }
0x9f: {  	s19 =	simm.s32 $_scs_section_size  }
0xa0: {  	s5 =	simm.s32 $_size__tile_overlayer_lowered;
	s6 =	simm.s32 $_tile_overlayer_lowered  }
0xa1: {  	s22 =	simm.s32 $0x1BFF;
	s21 =	sshll.u32 s6, $0x1;
	s3 =	sadd.s32 s19, s18  }
0xa2: {  	s7 =	simm.s32 $0x0;
	s20 =	sshll.u32 s5, $0x1;
	s5 =	sadd.s32 s21, s3  }
0xa3: {  	[timem:s7], [sflag:s22] =	dma.local [hbm:s5], s20  }
0xa4: {  	_ =	swait.ge [sflag:s22], s20  }
0xa5: {  	s4 =	ssub.s32 $0x0, s20;
	[sflag:s22] =	ssyncset.done $0x0  }
0xa6: {  	[sflag:s22] =	ssyncadd.s32 s4;
	_ =	sdelay $0x1  }
0xa7: {  	s23 =	simm.s32 $0x1B8B  }
0xa8: {  	_ =	swait.ge [sflag:s23], $0x1  }
0xa9: {  	[sflag:s23] =	ssyncset.done $0x0  }
0xaa: {  	s25 =	simm.s32 $0x1B8E;
	s24 =	sld [smem:$0x3FFE];
	[sflag:s23] =	ssyncadd.s32 $0xFFFFFFFF  }
0xab: {  	s26 =	simm.s32 $execute0_lowered;
	[smem:$0x3FD2] =	sst s25  }
0xac: {  	s5 =	sshll.u32 s26, $0x1;
	_ =	strace $0x80000049;
	[dreg:$0x1] =	wrdreg $0xFFFFFFFF  }
0xad: {  	s28 =	simm.s32 $_size_execute0_lowered;
	s3 =	sadd.s32 s3, s5;
	[dreg:$0x0] =	wrdreg $0x0  }
0xae: {  	s5 =	sshll.u32 s28, $0x1;
	[dreg:$0x2] =	wrdreg s3  }
0xaf: {  	[dreg:$0x3] =	wrdreg s5  }
0xb0: {  	[dreg:$0x4] =	wrdreg $0xC0  }
0xb1: {  	_ =	task [dreg:s7], $0x5FFFF  }
0xb2: {  	[dreg:$0x1] =	wrdreg $0xFFFFFFFF  }
0xb3: {  	[dreg:$0x0] =	wrdreg $0x60  }
0xb4: {  	[dreg:$0x2] =	wrdreg s24  }
0xb5: {  	[dreg:$0x3] =	wrdreg s16  }
0xb6: {  	[dreg:$0x4] =	wrdreg $0x85800  }
0xb7: {  	[dreg:$0x5] =	wrdreg $0x83000  }
0xb8: {  	[dreg:$0x6] =	wrdreg $0x9  }
0xb9: {  	_ =	task.clear_ibuf [dreg:s7], $0x7FFFF;
	_ =	strace $0x90000049  }
0xba: {  	s29 =	simm.s32 $0x9;
	_ =	strace $0x8000004B  }
0xbb: {  	_ =	swait.ge [sflag:s29], $0x1  }
0xbc: {  	[sflag:s29] =	ssyncadd.s32 $0xFFFFFFFF  }
0xbd: {  	_ =	strace $0x9000004B  }
0xbe: {  	_ =	sfence  }
0xbf: {  	s30 =	sld [smem:$0x0];
	_ =	sdelay $0x2  }
0xc0: {  	s31 =	sshll.u32 s1, $0xD;
	s1 =	sshrl.u32 s1, $0x2  }
0xc1: {  	s3 =	sand.u32 $0x4000, s31;
	s1 =	sadd.s32 s1, s30  }
0xc2: {  	s0 =	sor.u32 s3, s0;
	s1 =	sshll.u32 s1, $0x11  }
0xc3: {  	s0 =	sor.u32 s1, s0  }
0xc4: {  	s0 =	sadd.s32 $0x8F2B, s0  }
0xc5: {  	[sflag:s0] =	ssyncadd.remote.s32 $0x1  }
0xc6: {  	_ =	sfence.sel $0xFFFF  }
0xc7: {  	[dreg:$0x0] =	wrdreg $0xFFFFFFFF;
	(pc) =	sbr.abs _section_cstart, $3  }
0xc8: {  	[dreg:$0x1] =	wrdreg $0xFFFFFFFF  }
0xc9: {  	_ =	task.clear_ibuf [dreg:s7], $0x2FFFF;
	_ =	strace $0x9FFFFFFF  }
0xca: {  	(tm) =	ssettm $0x7FFFFFFF  }
0xcb: {  	_ =	shalt  }
tec
execute0_lowered:
.L_overlay_start_1:
0x0: {  	(tag) =	ssettag $0x1  }
0x1: {  	s2 =	rddreg [dreg:$0x0]  }
0x2: {  	s0 =	srdreg.scid;
	s8 =	rddreg [dreg:$0x1]  }
0x3: {  	s21 =	stileid.u32;
	s1 =	rddreg [dreg:$0x2]  }
0x4: {  	s15 =	rddreg [dreg:$0x3];
	s16 =	simm.s32 $0x80;
	s17 =	simm.s32 $0x400  }
0x5: {  	s20 =	simm.s32 $0x100;
	s28 =	simm.s32 $0x4F00;
	s29 =	simm.s32 $0x0  }
0x6: {  	s0 =	sand.u32 $0x1, s0;
	s6 =	sshll.u32 s21, $0x7;
	s22 =	smul.u32 $0xA0, s21  }
0x7: {  	s9 =	smul.u32 $0x280, s21;
	s30 =	sshll.u32 s21, $0x6;
	s19 =	sadd.s32 $0xBE00, s2  }
0x8: {  	p0 =	sne.s32 s21, $0x0;
	s4 =	sshll.u32 s0, $0x4;
	s6 =	sand.u32 $0x380, s6  }
0x9: {  	s25 =	ssub.s32 $0x2, s0;
	p1 =	sne.s32 s0, $0x0;
	s3 =	sor.u32 s21, s4  }
0xa: {  	s7 =	sadd.s32 s22, s2;
	s12 =	sadd.s32 s4, s2;
	s10 =	sshrl.u32 s9, $0x3  }
0xb: {  	s26 =	sshrl.u32 s25, $0x1;
	s14 =	sadd.s32 s9, s1;
	s9 =	sadd.s32 s9, s15  }
0xc: {  	s15 =	simm.s32 $0x1;
	s3 =	sshrl.u32 s3, $0x3;
	s11 =	sadd.s32 s10, s2  }
0xd: {  	s13 =	ssub.s32 s25, s26;
	s7 =	sadd.s32 $0x16800, s7;
	s8 =	sadd.s32 s8, s10  }
0xe: {  	s12 =	sadd.s32 $0x17200, s12;
	s14 =	sshrl.u32 s14, $0x3;
	s26 =	simm.s32 $0x2710  }
0xf: {  	s5 =	smul.u32 $0x13C00, s3;
	s3 =	simm.s32 $0x0;
	s31 =	sadd.s32 $0x15C00, s11  }
0x10: {  	s10 =	sadd.s32 $0x16200, s11;
	s11 =	sadd.s32 $0x17C00, s11;
	[smem:$0x7FF] =	sst s3  }
0x11: {  	s13 =	smax.u32 s13, $0x1;
	s5 =	sor.u32 s6, s5;
	_ =	strace $0x8000004A  }
0x12: {  	[dreg:$0x5] =	wrdreg s31;
	s18 =	sshrl.u32 s5, $0x3;
	s5 =	sor.u32 $0x1C01, s30  }
0x13: {  	s24 =	sadd.s32 s18, s2;
	s2 =	sadd.s32 $0x16810, s2;
	s18 =	sadd.s32 s18, s19  }
0x14: {  	s19 =	simm.s32 $0x2780;
	s6 =	sadd.s32 $0x2000, s24;
	s22 =	sadd.s32 s22, s2  }
.LBB2_1:
0x15: {  	s0 =	rddreg [dreg:$0x5]  }
0x16: {  	[spmem:s14], [sflag:s5] =	dma.local [hbm:s0], $0x50  }
0x17: {  	_ =	swait.ge [sflag:s15], $0x50  }
0x18: {  	[sflag:s15] =	ssyncset.done $0x0  }
0x19: {  	[sflag:s15] =	ssyncadd.s32 $0xFFFFFFB0  }
0x1a: {  	[tilespmem:s3], [sflag:$0x1] =	stream.strided.gather [hbm4b:s6+s16], $0x2780, s17, s16, $0x38;
	[tilespmem:$0x8800] =	vst v63  }
0x1b: {  	_ =	swait.ge [sflag:s15], $0x2780  }
0x1c: {  	[sflag:s15] =	ssyncset.done $0x0  }
0x1d: {  	[sflag:s15] =	ssyncadd.s32 $0xFFFFD880  }
0x1e: {  	[tilespmem:s19], [sflag:$0x1] =	stream.strided.gather [hbm4b:s18+s16], $0x2780, s17, s16, $0x38;
	[tilespmem:$0x8800] =	vst v63  }
0x1f: {  	_ =	swait.ge [sflag:s15], $0x2780  }
0x20: {  	[sflag:s15] =	ssyncset.done $0x0  }
0x21: {  	s23 =	simm.s32 $0x7680;
	[sflag:s15] =	ssyncadd.s32 $0xFFFFD880  }
0x22: {  	[tilespmem:s23], [sflag:$0x1] =	stream.strided.gather [hbm4b:s7+s16], $0x280, s20, s16, $0x38;
	[tilespmem:$0x8800] =	vst v63  }
0x23: {  	_ =	swait.ge [sflag:s15], $0x280  }
0x24: {  	[sflag:s15] =	ssyncset.done $0x0  }
0x25: {  	s24 =	simm.s32 $0x7900;
	[sflag:s15] =	ssyncadd.s32 $0xFFFFFD80  }
0x26: {  	[tilespmem:s24], [sflag:$0x1] =	stream.strided.gather [hbm4b:s22+s16], $0x280, s20, s16, $0x38;
	[tilespmem:$0x8800] =	vst v63  }
0x27: {  	_ =	swait.ge [sflag:s15], $0x280  }
0x28: {  	[sflag:s15] =	ssyncset.done $0x0  }
0x29: {  	s25 =	simm.s32 $0x7B80;
	[sflag:s15] =	ssyncadd.s32 $0xFFFFFD80  }
0x2a: {  	[tilespmem:s25], [sflag:$0x1] =	stream.linear.gather [hbm4b:s8+s3], $0x280, $0x38;
	[tilespmem:$0x8800] =	vst v63  }
0x2b: {  	_ =	swait.ge [sflag:s15], $0x280  }
0x2c: {  	[sflag:s15] =	ssyncset.done $0x0  }
0x2d: {  	s23 =	simm.s32 $0x0;
	[sflag:s15] =	ssyncadd.s32 $0xFFFFFD80  }
0x2e: {  	v0 =	vld [tilespmem:s23+$0x7680]  }
0x2f: {  	v1 =	vld [tilespmem:s23+$0x7900];
	_ =	sdelay $0x3  }
0x30: {  	s31 =	simm.s32 $0x10  }
0x31: {  	v2 =	vld [tilespmem:s31+$0x7680];
	v0 =	vadd.f32 v1, v0  }
0x32: {  	v1 =	vld [tilespmem:s31+$0x7900]  }
0x33: {  	v0 =	vadd.f32 $1.000000000e+00, v0;
	_ =	sdelay $0x1  }
0x34: {  	s2 =	simm.s32 $0x20;
	v3 =	vshrl.u32 v0, $0x1;
	v4 =	vmul.f32 $5.000000000e-01, v0  }
0x35: {  	v5 =	vld [tilespmem:s2+$0x7900];
	v0 =	vsub.s32 $0x5F3759DF, v3  }
0x36: {  	v3 =	vld [tilespmem:s2+$0x7680];
	v1 =	vadd.f32 v1, v2;
	v2 =	vmul.f32 v0, v4;
	_ =	sdelay $0x1  }
0x37: {  	v1 =	vadd.f32 $1.000000000e+00, v1;
	v2 =	vmul.f32 v0, v2;
	_ =	sdelay $0x1  }
0x38: {  	s30 =	simm.s32 $0x30;
	v6 =	vshrl.u32 v1, $0x1;
	v7 =	vmul.f32 $5.000000000e-01, v1;
	v1 =	vsub.f32 $1.500000000e+00, v2  }
0x39: {  	v8 =	vld [tilespmem:s30+$0x7900];
	v2 =	vsub.s32 $0x5F3759DF, v6;
	v3 =	vadd.f32 v5, v3  }
0x3a: {  	v6 =	vld [tilespmem:s30+$0x7680];
	v5 =	vmul.f32 v2, v7;
	v1 =	vmul.f32 v0, v1  }
0x3b: {  	s0 =	simm.s32 $0x40;
	v0 =	vadd.f32 $1.000000000e+00, v3  }
0x3c: {  	v10 =	vld [tilespmem:s0+$0x7680];
	v3 =	vmul.f32 v2, v5;
	v5 =	vmul.f32 v1, v4  }
0x3d: {  	v11 =	vld [tilespmem:s0+$0x7900];
	v9 =	vshrl.u32 v0, $0x1;
	v0 =	vmul.f32 $5.000000000e-01, v0  }
0x3e: {  	v3 =	vsub.f32 $1.500000000e+00, v3;
	v9 =	vsub.s32 $0x5F3759DF, v9;
	v5 =	vmul.f32 v5, v1  }
0x3f: {  	v6 =	vadd.f32 v8, v6;
	v8 =	vmul.f32 v9, v0  }
0x40: {  	v2 =	vmul.f32 v2, v3;
	v3 =	vsub.f32 $1.500000000e+00, v5  }
0x41: {  	v5 =	vadd.f32 $1.000000000e+00, v6;
	v6 =	vmul.f32 v9, v8  }
0x42: {  	v10 =	vadd.f32 v11, v10;
	v8 =	vmul.f32 v2, v7;
	v3 =	vmul.f32 v3, v1  }
0x43: {  	v12 =	vshrl.u32 v5, $0x1;
	v1 =	vmul.f32 $5.000000000e-01, v5;
	v5 =	vsub.f32 $1.500000000e+00, v6  }
0x44: {  	s21 =	simm.s32 $0x50;
	v15 =	vsub.s32 $0x5F3759DF, v12;
	v6 =	vmul.f32 v8, v2;
	v4 =	vmul.f32 v3, v4  }
0x45: {  	v13 =	vld [tilespmem:s21+$0x7900];
	v11 =	vmul.f32 v15, v1;
	v5 =	vmul.f32 v9, v5  }
0x46: {  	v8 =	vld [tilespmem:s21+$0x7680];
	v12 =	vadd.f32 $1.000000000e+00, v10;
	v6 =	vsub.f32 $1.500000000e+00, v6;
	v9 =	vmul.f32 v4, v3  }
0x47: {  	v11 =	vmul.f32 v15, v11;
	v14 =	vmul.f32 v5, v0  }
0x48: {  	v4 =	vmul.f32 v6, v2;
	v2 =	vmul.f32 $5.000000000e-01, v12  }
0x49: {  	v6 =	vld [tilespmem:s23+$0x7B80];
	v10 =	vsub.f32 $1.500000000e+00, v9;
	v9 =	vshrl.u32 v12, $0x1;
	v16 =	vsub.f32 $1.500000000e+00, v11  }
0x4a: {  	s24 =	simm.s32 $0x60;
	v11 =	vmul.f32 v14, v5;
	v9 =	vsub.s32 $0x5F3759DF, v9;
	v12 =	vmul.f32 v4, v7  }
0x4b: {  	s25 =	simm.s32 $0x1C0;
	v13 =	vadd.f32 v13, v8;
	v7 =	vld [tilespmem:s24+$0x7680];
	v14 =	vmul.f32 v9, v2;
	v8 =	vmul.f32 v15, v16  }
.LBB2_2:
0x4c: {  	p2 =	sne.s32 s25, $0x9C0;
	v15 =	vld [tilespmem:s24+$0x7900];
	v11 =	vsub.f32 $1.500000000e+00, v11;
	v12 =	vmul.f32 v12, v4;
	v16 =	vmul.f32 v10, v3;
	v3 =	vmovc v4;
	v17 =	vmovc v2;
	s1 =	smov.u32 s25;
	s25 =	sadd.s32 $0x40, s25  }
.Ltmp0:
0x4d: {  	v18 =	vmovc v9;
	s4 =	smov.u32 s21;
	s21 =	smov.u32 s24;
	v2 =	vadd.f32 $1.000000000e+00, v13;
	v13 =	vmul.f32 v9, v14;
	v14 =	vmul.f32 v8, v1;
	(pc) =	sbr.rel @p2 .LBB2_2-.Ltmp0, $4  }
0x4e: {  	v4 =	vmul.f32 v11, v5;
	v10 =	vsub.f32 $1.500000000e+00, v12;
	v19 =	vmul.f32 v16, v6;
	v6 =	vld [tilespmem:s31+$0x7B80];
	[tilespmem:s23+$0x8080] =	vst v16;
	v5 =	vmovc v8  }
0x4f: {  	v8 =	vshrl.u32 v2, $0x1;
	v2 =	vmul.f32 $5.000000000e-01, v2;
	v16 =	vsub.f32 $1.500000000e+00, v13  }
0x50: {  	s24 =	sshra.s32 s1, $0x2;
	v11 =	vmul.f32 v14, v5;
	v9 =	vsub.s32 $0x5F3759DF, v8;
	v12 =	vmul.f32 v4, v0;
	[tilespmem:s23+$0x7E00] =	vst v19;
	v0 =	vmovc v1;
	s23 =	smov.u32 s31;
	s31 =	smov.u32 s2  }
0x51: {  	v1 =	vmovc v17;
	s2 =	smov.u32 s30;
	s30 =	smov.u32 s0;
	s0 =	smov.u32 s4;
	v13 =	vadd.f32 v15, v7;
	v7 =	vld [tilespmem:s24+$0x7680];
	v14 =	vmul.f32 v9, v2;
	v8 =	vmul.f32 v18, v16  }
0x52: {  	v15 =	vld [tilespmem:s24+$0x7900];
	_ =	sdelay $0x1  }
0x53: {  	v11 =	vsub.f32 $1.500000000e+00, v11;
	v12 =	vmul.f32 v12, v4;
	v3 =	vmul.f32 v10, v3  }
0x54: {  	v26 =	vadd.f32 $1.000000000e+00, v13;
	v27 =	vmul.f32 v9, v14;
	v28 =	vmul.f32 v8, v1  }
0x55: {  	v5 =	vmul.f32 v11, v5;
	v29 =	vsub.f32 $1.500000000e+00, v12;
	v6 =	vmul.f32 v3, v6  }
0x56: {  	v30 =	vshrl.u32 v26, $0x1;
	v10 =	vmul.f32 $5.000000000e-01, v26;
	v7 =	vadd.f32 v15, v7  }
0x57: {  	v13 =	vsub.f32 $1.500000000e+00, v27;
	v14 =	vmul.f32 v28, v8;
	v12 =	vsub.s32 $0x5F3759DF, v30  }
0x58: {  	v34 =	vld [tilespmem:s31+$0x7B80];
	v0 =	vmul.f32 v5, v0;
	v37 =	vmul.f32 v29, v4;
	v7 =	vadd.f32 $1.000000000e+00, v7  }
0x59: {  	v31 =	vmul.f32 v12, v10;
	v32 =	vmul.f32 v9, v13  }
0x5a: {  	v33 =	vsub.f32 $1.500000000e+00, v14;
	v16 =	vshrl.u32 v7, $0x1;
	v7 =	vmul.f32 $5.000000000e-01, v7  }
0x5b: {  	v0 =	vmul.f32 v0, v5;
	v15 =	vmul.f32 v12, v31;
	v16 =	vsub.s32 $0x5F3759DF, v16  }
0x5c: {  	[tilespmem:s23+$0x8080] =	vst v3;
	v17 =	vmul.f32 v32, v2;
	v36 =	vmul.f32 v16, v7  }
0x5d: {  	[tilespmem:s23+$0x7E00] =	vst v6;
	v14 =	vmul.f32 v37, v34;
	v35 =	vmul.f32 v33, v8;
	v38 =	vsub.f32 $1.500000000e+00, v15  }
0x5e: {  	v40 =	vld [tilespmem:s2+$0x7B80];
	v0 =	vsub.f32 $1.500000000e+00, v0;
	v39 =	vmul.f32 v17, v32;
	v8 =	vmul.f32 v16, v36  }
0x5f: {  	v41 =	vmul.f32 v35, v1;
	v6 =	vmul.f32 v12, v38  }
0x60: {  	v0 =	vmul.f32 v0, v5;
	v11 =	vsub.f32 $1.500000000e+00, v39;
	v8 =	vsub.f32 $1.500000000e+00, v8  }
0x61: {  	v1 =	vmul.f32 v41, v35;
	v42 =	vmul.f32 v6, v10  }
0x62: {  	[tilespmem:s31+$0x8080] =	vst v37;
	v43 =	vmul.f32 v11, v32;
	v8 =	vmul.f32 v16, v8  }
0x63: {  	[tilespmem:s31+$0x7E00] =	vst v14;
	v44 =	vmul.f32 v0, v40;
	v5 =	vmul.f32 v42, v6  }
0x64: {  	v45 =	vld [tilespmem:s30+$0x7B80];
	v46 =	vmul.f32 v43, v2;
	v47 =	vmul.f32 v8, v7  }
0x65: {  	[tilespmem:s2+$0x8080] =	vst v0;
	v1 =	vsub.f32 $1.500000000e+00, v1;
	v48 =	vsub.f32 $1.500000000e+00, v5  }
0x66: {  	[tilespmem:s2+$0x7E00] =	vst v44;
	v2 =	vmul.f32 v46, v43;
	v49 =	vmul.f32 v47, v8  }
0x67: {  	v1 =	vmul.f32 v1, v35;
	v50 =	vld [tilespmem:s0+$0x7B80];
	v0 =	vmul.f32 v48, v6  }
0x68: {  	v2 =	vsub.f32 $1.500000000e+00, v2;
	v5 =	vsub.f32 $1.500000000e+00, v49  }
0x69: {  	v51 =	vmul.f32 v1, v45;
	v52 =	vmul.f32 v0, v10  }
0x6a: {  	v53 =	vmul.f32 v2, v43;
	v54 =	vmul.f32 v5, v8  }
0x6b: {  	[tilespmem:s30+$0x8080] =	vst v1;
	v55 =	vmul.f32 v52, v0  }
0x6c: {  	[tilespmem:s30+$0x7E00] =	vst v51;
	v3 =	vmul.f32 v53, v50;
	v57 =	vmul.f32 v54, v7  }
0x6d: {  	v56 =	vld [tilespmem:s21+$0x7B80];
	[tilespmem:s0+$0x8080] =	vst v53  }
0x6e: {  	v58 =	vsub.f32 $1.500000000e+00, v55;
	[tilespmem:s0+$0x7E00] =	vst v3;
	v59 =	vmul.f32 v57, v54  }
0x6f: {  	v60 =	vld [tilespmem:s24+$0x7B80]  }
0x70: {  	v0 =	vmul.f32 v58, v0;
	v61 =	vsub.f32 $1.500000000e+00, v59;
	_ =	sdelay $0x1  }
0x71: {  	v62 =	vmul.f32 v0, v56;
	v1 =	vmul.f32 v61, v54  }
0x72: {  	[tilespmem:s21+$0x8080] =	vst v0  }
0x73: {  	[tilespmem:s21+$0x7E00] =	vst v62;
	v63 =	vmul.f32 v1, v60  }
0x74: {  	[tilespmem:s24+$0x8080] =	vst v1  }
0x75: {  	s30 =	simm.s32 $0x7E00;
	[tilespmem:s24+$0x7E00] =	vst v63  }
0x76: {  	[spmem:s9] =	stream.linear.scatter [tilespmem:s30], [sflag:$0x1], $0x280, $0x38;
	[tilespmem:$0x8800] =	vst v63  }
0x77: {  	_ =	swait.ge [sflag:s15], $0x280  }
0x78: {  	[sflag:s15] =	ssyncset.done $0x0  }
0x79: {  	s1 =	simm.s32 @!p1 $0x7E00;
	s0 =	simm.s32 @!p1 $0x0;
	[sflag:s15] =	ssyncadd.s32 $0xFFFFFD80  }
0x7a: {  	[hbm4b:s10+s0] =	stream.linear.scatter @!p1 [tilespmem:s1], [sflag:$0x1], $0x280, $0x38;
	[tilespmem:$0x8800] =	vst v63  }
0x7b: {  	s1 =	simm.s32 @!p1 $0x1  }
0x7c: {  	_ =	swait.ge @!p1 [sflag:s1], $0x280  }
0x7d: {  	[sflag:s1] =	ssyncset.done @!p1 $0x0  }
0x7e: {  	s2 =	simm.s32 @!p1 $0x8080;
	[sflag:s1] =	ssyncadd.s32 @!p1 $0xFFFFFD80  }
0x7f: {  	[hbm4b:s11+s0] =	stream.linear.scatter @!p1 [tilespmem:s2], [sflag:$0x1], $0x280, $0x38;
	[tilespmem:$0x8800] =	vst v63  }
0x80: {  	_ =	swait.ge @!p1 [sflag:s1], $0x280  }
0x81: {  	[sflag:s1] =	ssyncset.done @!p1 $0x0  }
0x82: {  	[sflag:s1] =	ssyncadd.s32 @!p1 $0xFFFFFD80  }
0x83: {  	[bflag:$0x0] =	sbarrier.arrive $0xFFFF  }
0x84: {  	s31 =	rddreg [dreg:$0x3]  }
0x85: {  	[tilespmem:s28], [sflag:$0x1] =	stream.indirect.gather [spmem:s31], $0x1, s3, s26, $0xb8;
	[tilespmem:$0x8800] =	vst v63  }
0x86: {  	_ =	swait.ge [sflag:s15], $0x2710  }
0x87: {  	[sflag:s15] =	ssyncset.done $0x0  }
0x88: {  	[sflag:s15] =	ssyncadd.s32 $0xFFFFD8F0  }
0x89: {  	s0 =	rddreg [dreg:$0x2]  }
0x8a: {  	[spmem:s0] =	stream.indirect.scatter.add.f32 [tilespmem:s28], [sflag:$0x1], $0x1, s19, s26, $0xb8;
	[tilespmem:$0x8800] =	vst v63  }
0x8b: {  	s29 =	sadd.s32 $0x1, s29;
	_ =	swait.ge [sflag:s15], $0x2710  }
0x8c: {  	s4 =	simm.s32 @!p0 $0x10;
	p2 =	sne.s32 s29, s13;
	[sflag:s15] =	ssyncset.done $0x0  }
0x8d: {  	s2 =	simm.s32 @!p0 $0x20;
	s1 =	simm.s32 @!p0 $0x1;
	[sflag:s15] =	ssyncadd.s32 $0xFFFFD8F0  }
.Ltmp1:
0x8e: {  	s0 =	sshrl.u32 @!p0 s0, $0x3;
	[bflag:$0x0] =	sbarrier.arrive $0xFFFF;
	(pc) =	sbr.rel @p2 .LBB2_1-.Ltmp1, $4  }
0x8f: {  	[hbm:s12@s2], [sflag:s5] =	dma.strided @!p0 [spmem:s0@s4], $0x500, s1, $0x10   }
0x90: {  	_ =	swait.ge @!p0 [sflag:s1], $0x500  }
0x91: {  	[sflag:s1] =	ssyncset.done @!p0 $0x0  }
0x92: {  	[sflag:s1] =	ssyncadd.s32 @!p0 $0xFFFFFB00  }
0x93: {  	_ =	sfence.sel $0x180000  }
0x94: {  	[bflag:$0x0] =	sbarrier.arrive $0xFFFF  }
0x95: {  	_ =	strace $0x9000004A  }
0x96: {  	[bflag:$0x2] =	sbarrier.arrive $0xFFFF  }
0x97: {  	s0 =	rddreg [dreg:$0x4]  }
0x98: {  	s0 =	sadd.s32 @!p0 $0x100000, s0  }
0x99: {  	[sflag:s0] =	ssyncadd.tile.s32 @!p0 $0x1;
	_ =	shalt  }
.Lfunc_end2:
_tile_overlayer_lowered:
.L_overlay_start_2:
0x9a: {  	(tag) =	ssettag $0x2  }
0x9b: {  	s0 =	rddreg [dreg:$0x0];
	s2 =	stileid.u32  }
0x9c: {  	s1 =	rddreg [dreg:$0x1];
	p0 =	sne.s32 s2, $0x0  }
0x9d: {  	s3 =	rddreg [dreg:$0x2];
	[bflag:$0x3] =	sbarrier.arrive $0xFFFF;
	s2 =	simm.s32 @!p0 $0x1C01  }
0x9e: {  	[timem:s3], [sflag:s2] =	dma.local @!p0 [hbm:s0], s1  }
0x9f: {  	s0 =	simm.s32 @!p0 $0x1  }
0xa0: {  	_ =	swait.ge @!p0 [sflag:s0], s1  }
0xa1: {  	s1 =	ssub.s32 @!p0 $0x0, s1;
	[sflag:s0] =	ssyncset.done @!p0 $0x0  }
0xa2: {  	[sflag:s0] =	ssyncadd.s32 @!p0 s1  }
0xa3: {  	[bflag:$0x3] =	sbarrier.arrive $0xFFFF  }
0xa4: {  	_ =	shalt  }

</sc_bundles>
